<compile_context>
chip_gen: v7x
topology: tpu7x:2x2x1
jax: 0.10.2.dev20260603
libtpu: 0.0.44.dev20260713+nightly
codegen_flags: <defaults>
</compile_context>

<pallas_src>
import functools

import numpy as np

import jax
import jax.numpy as jnp
from jax.experimental import pallas as pl
from jax.experimental.pallas import tpu as pltpu
from jax.experimental.pallas import tpu_sc as plsc

_B_BLK = 256
_V_BLK = 2048

_KS0 = np.uint32(0)
_KS1 = np.uint32(42)
_KS2 = np.uint32(np.uint32(0x1BD11BDA) ^ np.uint32(42))
_ROT = ((13, 15, 26, 6), (17, 29, 16, 24))
_TINY = np.float32(np.finfo(np.float32).tiny)


def _gumbel_bits(lin_u32):
    ks = (_KS0, _KS1, _KS2)
    x0 = jnp.zeros_like(lin_u32)
    x1 = lin_u32 + _KS1

    for r in range(5):
        for d in _ROT[r % 2]:
            x0 = x0 + x1
            x1 = (x1 << np.uint32(d)) | (x1 >> np.uint32(32 - d))
            x1 = x0 ^ x1
        x0 = x0 + ks[(r + 1) % 3]
        x1 = x1 + ks[(r + 2) % 3] + np.uint32(r + 1)

    bits = x0 ^ x1
    fb = (bits >> np.uint32(9)) | np.uint32(0x3F800000)
    u = jax.lax.bitcast_convert_type(fb, jnp.float32) - jnp.float32(1.0)
    u = jnp.maximum(_TINY, u * (np.float32(1.0) - _TINY) + _TINY)
    return -jnp.log(-jnp.log(u))


def _sample_body(n_vb, v_total, logits_ref, idx_ref, best_val, best_idx):
    bb = pl.program_id(0)
    vb = pl.program_id(1)

    @pl.when(vb == 0)
    def _init():
        best_val[...] = jnp.full_like(best_val, -jnp.inf)
        best_idx[...] = jnp.zeros_like(best_idx)

    rows = jax.lax.broadcasted_iota(jnp.int32, (_B_BLK, _V_BLK), 0) + bb * _B_BLK
    cols = jax.lax.broadcasted_iota(jnp.int32, (_B_BLK, _V_BLK), 1) + vb * _V_BLK
    lin = rows * v_total + cols
    g = _gumbel_bits(lin.astype(jnp.uint32))
    s = g + logits_ref[...]
    s = jnp.where(cols < v_total, s, -jnp.inf)

    m = jnp.max(s, axis=1, keepdims=True)
    cand = jnp.where(s == m, cols, jnp.int32(2**31 - 1))
    li = jnp.min(cand, axis=1, keepdims=True)

    upd = m > best_val[...]
    best_val[...] = jnp.where(upd, m, best_val[...])
    best_idx[...] = jnp.where(upd, li, best_idx[...])

    @pl.when(vb == n_vb - 1)
    def _flush():
        idx_ref[...] = best_idx[...]


_OH_B_BLK = 256
_OH_V_BLK = 8192


def _onehot_body(v_total, idx_ref, out_ref):
    vb = pl.program_id(1)
    cols = (
        jax.lax.broadcasted_iota(jnp.int32, (_OH_B_BLK, _OH_V_BLK), 1)
        + vb * _OH_V_BLK
    )
    out_ref[...] = (cols == idx_ref[...]).astype(jnp.float32)


def _sc_zero_fill(b, v):
    info = plsc.get_sparse_core_info()
    nw = info.num_cores * info.num_subcores
    rows_per_w = b // nw
    mesh = plsc.VectorSubcoreMesh(core_axis_name="c", subcore_axis_name="s")

    @functools.partial(
        pl.kernel,
        mesh=mesh,
        out_type=jax.ShapeDtypeStruct((b, v), jnp.float32),
        scratch_types=[
            pltpu.VMEM((v,), jnp.float32),
            pltpu.SemaphoreType.DMA,
        ],
    )
    def zero_kernel(zsrc_hbm, out_hbm, zbuf, sem):
        wid = jax.lax.axis_index("s") * info.num_cores + jax.lax.axis_index("c")
        pltpu.sync_copy(zsrc_hbm, zbuf)
        base = wid * rows_per_w
        k = 8
        for g in range(0, rows_per_w, k):
            copies = [
                pltpu.make_async_copy(zbuf, out_hbm.at[base + g + j], sem)
                for j in range(min(k, rows_per_w - g))
            ]
            for c in copies:
                c.start()
            for c in copies:
                c.wait()

    zsrc = jnp.zeros((v,), jnp.float32)
    return zero_kernel(zsrc)


def _patch_body(b, idx_smem, pat_ref, zero_ref, out_ref, sem):
    def place(g, k):
        s = idx_smem[g * 8 + k, 0]
        seg = pl.multiple_of((s // 128) * 128, 128)
        base = pl.multiple_of(g * 8, 8)
        return pltpu.make_async_copy(
            pat_ref.at[k, pl.ds(base, 8), :],
            out_ref.at[pl.ds(base, 8), pl.ds(seg, 128)],
            sem,
        )

    def body(g, _):
        for k in range(8):
            place(g, k).start()
        for k in range(8):
            place(g, k).wait()
        return 0

    jax.lax.fori_loop(0, b // 8, body, 0)


def kernel(logits):
    b, v = logits.shape
    n_bb = pl.cdiv(b, _B_BLK)
    n_vb = pl.cdiv(v, _V_BLK)

    idx = pl.pallas_call(
        lambda *refs: _sample_body(n_vb, v, *refs),
        grid=(n_bb, n_vb),
        in_specs=[pl.BlockSpec((_B_BLK, _V_BLK), lambda i, j: (i, j))],
        out_specs=pl.BlockSpec((_B_BLK, 1), lambda i, j: (i, 0)),
        out_shape=jax.ShapeDtypeStruct((b, 1), jnp.int32),
        scratch_shapes=[
            pltpu.VMEM((_B_BLK, 1), jnp.float32),
            pltpu.VMEM((_B_BLK, 1), jnp.int32),
        ],
        compiler_params=pltpu.CompilerParams(
            dimension_semantics=("parallel", "arbitrary"),
        ),
    )(logits)

    zeros = _sc_zero_fill(b, v)

    idx_f = idx[:, 0]
    seg = (idx_f // 128) * 128
    off = idx_f - seg
    segg = seg.reshape(b // 8, 8)
    same = segg[:, :, None] == segg[:, None, :]
    oh = jax.nn.one_hot(off, 128, dtype=jnp.float32).reshape(b // 8, 1, 8, 128)
    pat = (same[:, :, :, None] * oh).transpose(1, 0, 2, 3).reshape(8, b, 128)

    out = pl.pallas_call(
        functools.partial(_patch_body, b),
        in_specs=[
            pl.BlockSpec(memory_space=pltpu.SMEM),
            pl.BlockSpec(memory_space=pltpu.VMEM),
            pl.BlockSpec(memory_space=pltpu.HBM),
        ],
        out_specs=pl.BlockSpec(memory_space=pltpu.HBM),
        out_shape=jax.ShapeDtypeStruct((b, v), jnp.float32),
        scratch_shapes=[
            pltpu.SemaphoreType.DMA,
        ],
        input_output_aliases={2: 0},
    )(idx, pat, zeros)
    return out

# --- scband reference (transcript-rebuilt; emitter-appended) ---
"""Pipeline reference for scband-stone-hot-categorical-61220463837583 (READ-ONLY COPY).

The authoritative reference and input builder live on the scoring server;
editing this copy changes nothing except your own understanding.
"""

import jax, jax.numpy as jnp
import numpy as np


def setup_inputs(seed: int = 0) -> dict:
    key = jax.random.key(seed)
    logits = jax.random.normal(key, (1024, 100000), dtype=jnp.float32)
    return {"logits": logits}


def reference(logits):
    # STOneHotCategorical: straight-through one-hot categorical sampling.
    # samples = OneHotCategorical(logits).sample()
    # probs   = softmax(logits)
    # out     = samples + probs - stop_gradient(probs)
    skey = jax.random.key(42)
    idx = jax.random.categorical(skey, logits, axis=-1)  # int samples, [B]
    samples = jax.nn.one_hot(idx, logits.shape[-1], dtype=logits.dtype)  # [B, V]
    probs = jax.nn.softmax(logits, axis=-1)
    out = samples + probs - jax.lax.stop_gradient(probs)
    return out

if __name__ == "__main__":
    import jax
    _d = setup_inputs()
    print(jax.jit(kernel)(*tuple(_d.values())))

</pallas_src>

<mosaic_0001>
#map = affine_map<(d0, d1) -> (0)>
#map1 = affine_map<(d0, d1) -> (0, 0)>
module attributes {stable_mosaic.version = 14 : i64} {
  func.func @zero_kernel(%arg0: i32, %arg1: i32, %arg2: memref<100000xf32, #tpu.memory_space<hbm>>, %arg3: memref<1024x100000xf32, #tpu.memory_space<hbm>>, %arg4: memref<100000xf32, #tpu.memory_space<vmem>>, %arg5: memref<!tpu.dma_semaphore, #tpu.memory_space<semaphore_mem>>) attributes {dimension_semantics = [#tpu.dimension_semantics<core_parallel>, #tpu.dimension_semantics<subcore_parallel>], iteration_bounds = array<i64: 2, 16>, scalar_prefetch = 0 : i64, scratch_operands = 2 : i64, tpu.core_type = #tpu.core_type<sc_vector_subcore>, window_params = [{transform_indices = #map}, {transform_indices = #map1}]} {
    %mul3A = arith.constant 2 : i32
    %mul3A_0 = arith.muli %arg1, %mul3A : i32
    %add3A = arith.addi %mul3A_0, %arg0 : i32
    "tpu.region"() ({
      %run_scoped3A = tpu.sem_alloc : memref<!tpu.dma_semaphore, #tpu.memory_space<semaphore_mem>>
      tpu.enqueue_dma source(%arg2 : memref<100000xf32, #tpu.memory_space<hbm>>) target(%arg4 : memref<100000xf32, #tpu.memory_space<vmem>>) target_semaphore(%run_scoped3A : memref<!tpu.dma_semaphore, #tpu.memory_space<semaphore_mem>>)
      tpu.wait_dma2 semaphore(%run_scoped3A : memref<!tpu.dma_semaphore, #tpu.memory_space<semaphore_mem>>) src(%arg2 : memref<100000xf32, #tpu.memory_space<hbm>>) dst(%arg4 : memref<100000xf32, #tpu.memory_space<vmem>>)
      tpu.yield
    }) : () -> ()
    %mul3A_1 = arith.constant 32 : i32
    %mul3A_2 = arith.muli %add3A, %mul3A_1 : i32
    %add3A_3 = arith.constant 0 : i32
    %add3A_4 = arith.addi %mul3A_2, %add3A_3 : i32
    %add3A_5 = arith.constant 0 : i32
    %add3A_6 = arith.addi %add3A_4, %add3A_5 : i32
    %add3A_7 = arith.constant 0 : i32
    %add3A_8 = arith.addi %mul3A_2, %add3A_7 : i32
    %add3A_9 = arith.constant 1 : i32
    %add3A_10 = arith.addi %add3A_8, %add3A_9 : i32
    %add3A_11 = arith.constant 0 : i32
    %add3A_12 = arith.addi %mul3A_2, %add3A_11 : i32
    %add3A_13 = arith.constant 2 : i32
    %add3A_14 = arith.addi %add3A_12, %add3A_13 : i32
    %add3A_15 = arith.constant 0 : i32
    %add3A_16 = arith.addi %mul3A_2, %add3A_15 : i32
    %add3A_17 = arith.constant 3 : i32
    %add3A_18 = arith.addi %add3A_16, %add3A_17 : i32
    %add3A_19 = arith.constant 0 : i32
    %add3A_20 = arith.addi %mul3A_2, %add3A_19 : i32
    %add3A_21 = arith.constant 4 : i32
    %add3A_22 = arith.addi %add3A_20, %add3A_21 : i32
    %add3A_23 = arith.constant 0 : i32
    %add3A_24 = arith.addi %mul3A_2, %add3A_23 : i32
    %add3A_25 = arith.constant 5 : i32
    %add3A_26 = arith.addi %add3A_24, %add3A_25 : i32
    %add3A_27 = arith.constant 0 : i32
    %add3A_28 = arith.addi %mul3A_2, %add3A_27 : i32
    %add3A_29 = arith.constant 6 : i32
    %add3A_30 = arith.addi %add3A_28, %add3A_29 : i32
    %add3A_31 = arith.constant 0 : i32
    %add3A_32 = arith.addi %mul3A_2, %add3A_31 : i32
    %add3A_33 = arith.constant 7 : i32
    %add3A_34 = arith.addi %add3A_32, %add3A_33 : i32
    %dma_start3A = arith.constant 0 : i32
    %dma_start3A_35 = tpu.memref_slice %arg3[%add3A_6, %dma_start3A] : memref<1024x100000xf32, #tpu.memory_space<hbm>> -> memref<1x100000xf32, #tpu.memory_space<hbm>>
    %dma_start3A_36 = tpu.memref_squeeze %dma_start3A_35 : memref<1x100000xf32, #tpu.memory_space<hbm>> -> memref<100000xf32, #tpu.memory_space<hbm>>
    %dma_start3A_37 = arith.constant 0 : i32
    %dma_start3A_38 = tpu.memref_slice %arg3[%add3A_6, %dma_start3A_37] : memref<1024x100000xf32, #tpu.memory_space<hbm>> -> memref<1x100000xf32, #tpu.memory_space<hbm>>
    %dma_start3A_39 = tpu.memref_squeeze %dma_start3A_38 : memref<1x100000xf32, #tpu.memory_space<hbm>> -> memref<100000xf32, #tpu.memory_space<hbm>>
    tpu.enqueue_dma source(%arg4 : memref<100000xf32, #tpu.memory_space<vmem>>) target(%dma_start3A_39 : memref<100000xf32, #tpu.memory_space<hbm>>) target_semaphore(%arg5 : memref<!tpu.dma_semaphore, #tpu.memory_space<semaphore_mem>>)
    %dma_start3A_40 = arith.constant 0 : i32
    %dma_start3A_41 = tpu.memref_slice %arg3[%add3A_10, %dma_start3A_40] : memref<1024x100000xf32, #tpu.memory_space<hbm>> -> memref<1x100000xf32, #tpu.memory_space<hbm>>
    %dma_start3A_42 = tpu.memref_squeeze %dma_start3A_41 : memref<1x100000xf32, #tpu.memory_space<hbm>> -> memref<100000xf32, #tpu.memory_space<hbm>>
    %dma_start3A_43 = arith.constant 0 : i32
    %dma_start3A_44 = tpu.memref_slice %arg3[%add3A_10, %dma_start3A_43] : memref<1024x100000xf32, #tpu.memory_space<hbm>> -> memref<1x100000xf32, #tpu.memory_space<hbm>>
    %dma_start3A_45 = tpu.memref_squeeze %dma_start3A_44 : memref<1x100000xf32, #tpu.memory_space<hbm>> -> memref<100000xf32, #tpu.memory_space<hbm>>
    tpu.enqueue_dma source(%arg4 : memref<100000xf32, #tpu.memory_space<vmem>>) target(%dma_start3A_45 : memref<100000xf32, #tpu.memory_space<hbm>>) target_semaphore(%arg5 : memref<!tpu.dma_semaphore, #tpu.memory_space<semaphore_mem>>)
    %dma_start3A_46 = arith.constant 0 : i32
    %dma_start3A_47 = tpu.memref_slice %arg3[%add3A_14, %dma_start3A_46] : memref<1024x100000xf32, #tpu.memory_space<hbm>> -> memref<1x100000xf32, #tpu.memory_space<hbm>>
    %dma_start3A_48 = tpu.memref_squeeze %dma_start3A_47 : memref<1x100000xf32, #tpu.memory_space<hbm>> -> memref<100000xf32, #tpu.memory_space<hbm>>
    %dma_start3A_49 = arith.constant 0 : i32
    %dma_start3A_50 = tpu.memref_slice %arg3[%add3A_14, %dma_start3A_49] : memref<1024x100000xf32, #tpu.memory_space<hbm>> -> memref<1x100000xf32, #tpu.memory_space<hbm>>
    %dma_start3A_51 = tpu.memref_squeeze %dma_start3A_50 : memref<1x100000xf32, #tpu.memory_space<hbm>> -> memref<100000xf32, #tpu.memory_space<hbm>>
    tpu.enqueue_dma source(%arg4 : memref<100000xf32, #tpu.memory_space<vmem>>) target(%dma_start3A_51 : memref<100000xf32, #tpu.memory_space<hbm>>) target_semaphore(%arg5 : memref<!tpu.dma_semaphore, #tpu.memory_space<semaphore_mem>>)
    %dma_start3A_52 = arith.constant 0 : i32
    %dma_start3A_53 = tpu.memref_slice %arg3[%add3A_18, %dma_start3A_52] : memref<1024x100000xf32, #tpu.memory_space<hbm>> -> memref<1x100000xf32, #tpu.memory_space<hbm>>
    %dma_start3A_54 = tpu.memref_squeeze %dma_start3A_53 : memref<1x100000xf32, #tpu.memory_space<hbm>> -> memref<100000xf32, #tpu.memory_space<hbm>>
    %dma_start3A_55 = arith.constant 0 : i32
    %dma_start3A_56 = tpu.memref_slice %arg3[%add3A_18, %dma_start3A_55] : memref<1024x100000xf32, #tpu.memory_space<hbm>> -> memref<1x100000xf32, #tpu.memory_space<hbm>>
    %dma_start3A_57 = tpu.memref_squeeze %dma_start3A_56 : memref<1x100000xf32, #tpu.memory_space<hbm>> -> memref<100000xf32, #tpu.memory_space<hbm>>
    tpu.enqueue_dma source(%arg4 : memref<100000xf32, #tpu.memory_space<vmem>>) target(%dma_start3A_57 : memref<100000xf32, #tpu.memory_space<hbm>>) target_semaphore(%arg5 : memref<!tpu.dma_semaphore, #tpu.memory_space<semaphore_mem>>)
    %dma_start3A_58 = arith.constant 0 : i32
    %dma_start3A_59 = tpu.memref_slice %arg3[%add3A_22, %dma_start3A_58] : memref<1024x100000xf32, #tpu.memory_space<hbm>> -> memref<1x100000xf32, #tpu.memory_space<hbm>>
    %dma_start3A_60 = tpu.memref_squeeze %dma_start3A_59 : memref<1x100000xf32, #tpu.memory_space<hbm>> -> memref<100000xf32, #tpu.memory_space<hbm>>
    %dma_start3A_61 = arith.constant 0 : i32
    %dma_start3A_62 = tpu.memref_slice %arg3[%add3A_22, %dma_start3A_61] : memref<1024x100000xf32, #tpu.memory_space<hbm>> -> memref<1x100000xf32, #tpu.memory_space<hbm>>
    %dma_start3A_63 = tpu.memref_squeeze %dma_start3A_62 : memref<1x100000xf32, #tpu.memory_space<hbm>> -> memref<100000xf32, #tpu.memory_space<hbm>>
    tpu.enqueue_dma source(%arg4 : memref<100000xf32, #tpu.memory_space<vmem>>) target(%dma_start3A_63 : memref<100000xf32, #tpu.memory_space<hbm>>) target_semaphore(%arg5 : memref<!tpu.dma_semaphore, #tpu.memory_space<semaphore_mem>>)
    %dma_start3A_64 = arith.constant 0 : i32
    %dma_start3A_65 = tpu.memref_slice %arg3[%add3A_26, %dma_start3A_64] : memref<1024x100000xf32, #tpu.memory_space<hbm>> -> memref<1x100000xf32, #tpu.memory_space<hbm>>
    %dma_start3A_66 = tpu.memref_squeeze %dma_start3A_65 : memref<1x100000xf32, #tpu.memory_space<hbm>> -> memref<100000xf32, #tpu.memory_space<hbm>>
    %dma_start3A_67 = arith.constant 0 : i32
    %dma_start3A_68 = tpu.memref_slice %arg3[%add3A_26, %dma_start3A_67] : memref<1024x100000xf32, #tpu.memory_space<hbm>> -> memref<1x100000xf32, #tpu.memory_space<hbm>>
    %dma_start3A_69 = tpu.memref_squeeze %dma_start3A_68 : memref<1x100000xf32, #tpu.memory_space<hbm>> -> memref<100000xf32, #tpu.memory_space<hbm>>
    tpu.enqueue_dma source(%arg4 : memref<100000xf32, #tpu.memory_space<vmem>>) target(%dma_start3A_69 : memref<100000xf32, #tpu.memory_space<hbm>>) target_semaphore(%arg5 : memref<!tpu.dma_semaphore, #tpu.memory_space<semaphore_mem>>)
    %dma_start3A_70 = arith.constant 0 : i32
    %dma_start3A_71 = tpu.memref_slice %arg3[%add3A_30, %dma_start3A_70] : memref<1024x100000xf32, #tpu.memory_space<hbm>> -> memref<1x100000xf32, #tpu.memory_space<hbm>>
    %dma_start3A_72 = tpu.memref_squeeze %dma_start3A_71 : memref<1x100000xf32, #tpu.memory_space<hbm>> -> memref<100000xf32, #tpu.memory_space<hbm>>
    %dma_start3A_73 = arith.constant 0 : i32
    %dma_start3A_74 = tpu.memref_slice %arg3[%add3A_30, %dma_start3A_73] : memref<1024x100000xf32, #tpu.memory_space<hbm>> -> memref<1x100000xf32, #tpu.memory_space<hbm>>
    %dma_start3A_75 = tpu.memref_squeeze %dma_start3A_74 : memref<1x100000xf32, #tpu.memory_space<hbm>> -> memref<100000xf32, #tpu.memory_space<hbm>>
    tpu.enqueue_dma source(%arg4 : memref<100000xf32, #tpu.memory_space<vmem>>) target(%dma_start3A_75 : memref<100000xf32, #tpu.memory_space<hbm>>) target_semaphore(%arg5 : memref<!tpu.dma_semaphore, #tpu.memory_space<semaphore_mem>>)
    %dma_start3A_76 = arith.constant 0 : i32
    %dma_start3A_77 = tpu.memref_slice %arg3[%add3A_34, %dma_start3A_76] : memref<1024x100000xf32, #tpu.memory_space<hbm>> -> memref<1x100000xf32, #tpu.memory_space<hbm>>
    %dma_start3A_78 = tpu.memref_squeeze %dma_start3A_77 : memref<1x100000xf32, #tpu.memory_space<hbm>> -> memref<100000xf32, #tpu.memory_space<hbm>>
    %dma_start3A_79 = arith.constant 0 : i32
    %dma_start3A_80 = tpu.memref_slice %arg3[%add3A_34, %dma_start3A_79] : memref<1024x100000xf32, #tpu.memory_space<hbm>> -> memref<1x100000xf32, #tpu.memory_space<hbm>>
    %dma_start3A_81 = tpu.memref_squeeze %dma_start3A_80 : memref<1x100000xf32, #tpu.memory_space<hbm>> -> memref<100000xf32, #tpu.memory_space<hbm>>
    tpu.enqueue_dma source(%arg4 : memref<100000xf32, #tpu.memory_space<vmem>>) target(%dma_start3A_81 : memref<100000xf32, #tpu.memory_space<hbm>>) target_semaphore(%arg5 : memref<!tpu.dma_semaphore, #tpu.memory_space<semaphore_mem>>)
    %dma_wait3A = arith.constant 0 : i32
    %dma_wait3A_82 = tpu.memref_slice %arg3[%add3A_6, %dma_wait3A] : memref<1024x100000xf32, #tpu.memory_space<hbm>> -> memref<1x100000xf32, #tpu.memory_space<hbm>>
    %dma_wait3A_83 = tpu.memref_squeeze %dma_wait3A_82 : memref<1x100000xf32, #tpu.memory_space<hbm>> -> memref<100000xf32, #tpu.memory_space<hbm>>
    %dma_wait3A_84 = arith.constant 0 : i32
    %dma_wait3A_85 = tpu.memref_slice %arg3[%add3A_6, %dma_wait3A_84] : memref<1024x100000xf32, #tpu.memory_space<hbm>> -> memref<1x100000xf32, #tpu.memory_space<hbm>>
    %dma_wait3A_86 = tpu.memref_squeeze %dma_wait3A_85 : memref<1x100000xf32, #tpu.memory_space<hbm>> -> memref<100000xf32, #tpu.memory_space<hbm>>
    tpu.wait_dma2 semaphore(%arg5 : memref<!tpu.dma_semaphore, #tpu.memory_space<semaphore_mem>>) src(%arg4 : memref<100000xf32, #tpu.memory_space<vmem>>) dst(%dma_wait3A_86 : memref<100000xf32, #tpu.memory_space<hbm>>)
    %dma_wait3A_87 = arith.constant 0 : i32
    %dma_wait3A_88 = tpu.memref_slice %arg3[%add3A_10, %dma_wait3A_87] : memref<1024x100000xf32, #tpu.memory_space<hbm>> -> memref<1x100000xf32, #tpu.memory_space<hbm>>
    %dma_wait3A_89 = tpu.memref_squeeze %dma_wait3A_88 : memref<1x100000xf32, #tpu.memory_space<hbm>> -> memref<100000xf32, #tpu.memory_space<hbm>>
    %dma_wait3A_90 = arith.constant 0 : i32
    %dma_wait3A_91 = tpu.memref_slice %arg3[%add3A_10, %dma_wait3A_90] : memref<1024x100000xf32, #tpu.memory_space<hbm>> -> memref<1x100000xf32, #tpu.memory_space<hbm>>
    %dma_wait3A_92 = tpu.memref_squeeze %dma_wait3A_91 : memref<1x100000xf32, #tpu.memory_space<hbm>> -> memref<100000xf32, #tpu.memory_space<hbm>>
    tpu.wait_dma2 semaphore(%arg5 : memref<!tpu.dma_semaphore, #tpu.memory_space<semaphore_mem>>) src(%arg4 : memref<100000xf32, #tpu.memory_space<vmem>>) dst(%dma_wait3A_92 : memref<100000xf32, #tpu.memory_space<hbm>>)
    %dma_wait3A_93 = arith.constant 0 : i32
    %dma_wait3A_94 = tpu.memref_slice %arg3[%add3A_14, %dma_wait3A_93] : memref<1024x100000xf32, #tpu.memory_space<hbm>> -> memref<1x100000xf32, #tpu.memory_space<hbm>>
    %dma_wait3A_95 = tpu.memref_squeeze %dma_wait3A_94 : memref<1x100000xf32, #tpu.memory_space<hbm>> -> memref<100000xf32, #tpu.memory_space<hbm>>
    %dma_wait3A_96 = arith.constant 0 : i32
    %dma_wait3A_97 = tpu.memref_slice %arg3[%add3A_14, %dma_wait3A_96] : memref<1024x100000xf32, #tpu.memory_space<hbm>> -> memref<1x100000xf32, #tpu.memory_space<hbm>>
    %dma_wait3A_98 = tpu.memref_squeeze %dma_wait3A_97 : memref<1x100000xf32, #tpu.memory_space<hbm>> -> memref<100000xf32, #tpu.memory_space<hbm>>
    tpu.wait_dma2 semaphore(%arg5 : memref<!tpu.dma_semaphore, #tpu.memory_space<semaphore_mem>>) src(%arg4 : memref<100000xf32, #tpu.memory_space<vmem>>) dst(%dma_wait3A_98 : memref<100000xf32, #tpu.memory_space<hbm>>)
    %dma_wait3A_99 = arith.constant 0 : i32
    %dma_wait3A_100 = tpu.memref_slice %arg3[%add3A_18, %dma_wait3A_99] : memref<1024x100000xf32, #tpu.memory_space<hbm>> -> memref<1x100000xf32, #tpu.memory_space<hbm>>
    %dma_wait3A_101 = tpu.memref_squeeze %dma_wait3A_100 : memref<1x100000xf32, #tpu.memory_space<hbm>> -> memref<100000xf32, #tpu.memory_space<hbm>>
    %dma_wait3A_102 = arith.constant 0 : i32
    %dma_wait3A_103 = tpu.memref_slice %arg3[%add3A_18, %dma_wait3A_102] : memref<1024x100000xf32, #tpu.memory_space<hbm>> -> memref<1x100000xf32, #tpu.memory_space<hbm>>
    %dma_wait3A_104 = tpu.memref_squeeze %dma_wait3A_103 : memref<1x100000xf32, #tpu.memory_space<hbm>> -> memref<100000xf32, #tpu.memory_space<hbm>>
    tpu.wait_dma2 semaphore(%arg5 : memref<!tpu.dma_semaphore, #tpu.memory_space<semaphore_mem>>) src(%arg4 : memref<100000xf32, #tpu.memory_space<vmem>>) dst(%dma_wait3A_104 : memref<100000xf32, #tpu.memory_space<hbm>>)
    %dma_wait3A_105 = arith.constant 0 : i32
    %dma_wait3A_106 = tpu.memref_slice %arg3[%add3A_22, %dma_wait3A_105] : memref<1024x100000xf32, #tpu.memory_space<hbm>> -> memref<1x100000xf32, #tpu.memory_space<hbm>>
    %dma_wait3A_107 = tpu.memref_squeeze %dma_wait3A_106 : memref<1x100000xf32, #tpu.memory_space<hbm>> -> memref<100000xf32, #tpu.memory_space<hbm>>
    %dma_wait3A_108 = arith.constant 0 : i32
    %dma_wait3A_109 = tpu.memref_slice %arg3[%add3A_22, %dma_wait3A_108] : memref<1024x100000xf32, #tpu.memory_space<hbm>> -> memref<1x100000xf32, #tpu.memory_space<hbm>>
    %dma_wait3A_110 = tpu.memref_squeeze %dma_wait3A_109 : memref<1x100000xf32, #tpu.memory_space<hbm>> -> memref<100000xf32, #tpu.memory_space<hbm>>
    tpu.wait_dma2 semaphore(%arg5 : memref<!tpu.dma_semaphore, #tpu.memory_space<semaphore_mem>>) src(%arg4 : memref<100000xf32, #tpu.memory_space<vmem>>) dst(%dma_wait3A_110 : memref<100000xf32, #tpu.memory_space<hbm>>)
    %dma_wait3A_111 = arith.constant 0 : i32
    %dma_wait3A_112 = tpu.memref_slice %arg3[%add3A_26, %dma_wait3A_111] : memref<1024x100000xf32, #tpu.memory_space<hbm>> -> memref<1x100000xf32, #tpu.memory_space<hbm>>
    %dma_wait3A_113 = tpu.memref_squeeze %dma_wait3A_112 : memref<1x100000xf32, #tpu.memory_space<hbm>> -> memref<100000xf32, #tpu.memory_space<hbm>>
    %dma_wait3A_114 = arith.constant 0 : i32
    %dma_wait3A_115 = tpu.memref_slice %arg3[%add3A_26, %dma_wait3A_114] : memref<1024x100000xf32, #tpu.memory_space<hbm>> -> memref<1x100000xf32, #tpu.memory_space<hbm>>
    %dma_wait3A_116 = tpu.memref_squeeze %dma_wait3A_115 : memref<1x100000xf32, #tpu.memory_space<hbm>> -> memref<100000xf32, #tpu.memory_space<hbm>>
    tpu.wait_dma2 semaphore(%arg5 : memref<!tpu.dma_semaphore, #tpu.memory_space<semaphore_mem>>) src(%arg4 : memref<100000xf32, #tpu.memory_space<vmem>>) dst(%dma_wait3A_116 : memref<100000xf32, #tpu.memory_space<hbm>>)
    %dma_wait3A_117 = arith.constant 0 : i32
    %dma_wait3A_118 = tpu.memref_slice %arg3[%add3A_30, %dma_wait3A_117] : memref<1024x100000xf32, #tpu.memory_space<hbm>> -> memref<1x100000xf32, #tpu.memory_space<hbm>>
    %dma_wait3A_119 = tpu.memref_squeeze %dma_wait3A_118 : memref<1x100000xf32, #tpu.memory_space<hbm>> -> memref<100000xf32, #tpu.memory_space<hbm>>
    %dma_wait3A_120 = arith.constant 0 : i32
    %dma_wait3A_121 = tpu.memref_slice %arg3[%add3A_30, %dma_wait3A_120] : memref<1024x100000xf32, #tpu.memory_space<hbm>> -> memref<1x100000xf32, #tpu.memory_space<hbm>>
    %dma_wait3A_122 = tpu.memref_squeeze %dma_wait3A_121 : memref<1x100000xf32, #tpu.memory_space<hbm>> -> memref<100000xf32, #tpu.memory_space<hbm>>
    tpu.wait_dma2 semaphore(%arg5 : memref<!tpu.dma_semaphore, #tpu.memory_space<semaphore_mem>>) src(%arg4 : memref<100000xf32, #tpu.memory_space<vmem>>) dst(%dma_wait3A_122 : memref<100000xf32, #tpu.memory_space<hbm>>)
    %dma_wait3A_123 = arith.constant 0 : i32
    %dma_wait3A_124 = tpu.memref_slice %arg3[%add3A_34, %dma_wait3A_123] : memref<1024x100000xf32, #tpu.memory_space<hbm>> -> memref<1x100000xf32, #tpu.memory_space<hbm>>
    %dma_wait3A_125 = tpu.memref_squeeze %dma_wait3A_124 : memref<1x100000xf32, #tpu.memory_space<hbm>> -> memref<100000xf32, #tpu.memory_space<hbm>>
    %dma_wait3A_126 = arith.constant 0 : i32
    %dma_wait3A_127 = tpu.memref_slice %arg3[%add3A_34, %dma_wait3A_126] : memref<1024x100000xf32, #tpu.memory_space<hbm>> -> memref<1x100000xf32, #tpu.memory_space<hbm>>
    %dma_wait3A_128 = tpu.memref_squeeze %dma_wait3A_127 : memref<1x100000xf32, #tpu.memory_space<hbm>> -> memref<100000xf32, #tpu.memory_space<hbm>>
    tpu.wait_dma2 semaphore(%arg5 : memref<!tpu.dma_semaphore, #tpu.memory_space<semaphore_mem>>) src(%arg4 : memref<100000xf32, #tpu.memory_space<vmem>>) dst(%dma_wait3A_128 : memref<100000xf32, #tpu.memory_space<hbm>>)
    %add3A_129 = arith.constant 8 : i32
    %add3A_130 = arith.addi %mul3A_2, %add3A_129 : i32
    %add3A_131 = arith.constant 0 : i32
    %add3A_132 = arith.addi %add3A_130, %add3A_131 : i32
    %add3A_133 = arith.constant 8 : i32
    %add3A_134 = arith.addi %mul3A_2, %add3A_133 : i32
    %add3A_135 = arith.constant 1 : i32
    %add3A_136 = arith.addi %add3A_134, %add3A_135 : i32
    %add3A_137 = arith.constant 8 : i32
    %add3A_138 = arith.addi %mul3A_2, %add3A_137 : i32
    %add3A_139 = arith.constant 2 : i32
    %add3A_140 = arith.addi %add3A_138, %add3A_139 : i32
    %add3A_141 = arith.constant 8 : i32
    %add3A_142 = arith.addi %mul3A_2, %add3A_141 : i32
    %add3A_143 = arith.constant 3 : i32
    %add3A_144 = arith.addi %add3A_142, %add3A_143 : i32
    %add3A_145 = arith.constant 8 : i32
    %add3A_146 = arith.addi %mul3A_2, %add3A_145 : i32
    %add3A_147 = arith.constant 4 : i32
    %add3A_148 = arith.addi %add3A_146, %add3A_147 : i32
    %add3A_149 = arith.constant 8 : i32
    %add3A_150 = arith.addi %mul3A_2, %add3A_149 : i32
    %add3A_151 = arith.constant 5 : i32
    %add3A_152 = arith.addi %add3A_150, %add3A_151 : i32
    %add3A_153 = arith.constant 8 : i32
    %add3A_154 = arith.addi %mul3A_2, %add3A_153 : i32
    %add3A_155 = arith.constant 6 : i32
    %add3A_156 = arith.addi %add3A_154, %add3A_155 : i32
    %add3A_157 = arith.constant 8 : i32
    %add3A_158 = arith.addi %mul3A_2, %add3A_157 : i32
    %add3A_159 = arith.constant 7 : i32
    %add3A_160 = arith.addi %add3A_158, %add3A_159 : i32
    %dma_start3A_161 = arith.constant 0 : i32
    %dma_start3A_162 = tpu.memref_slice %arg3[%add3A_132, %dma_start3A_161] : memref<1024x100000xf32, #tpu.memory_space<hbm>> -> memref<1x100000xf32, #tpu.memory_space<hbm>>
    %dma_start3A_163 = tpu.memref_squeeze %dma_start3A_162 : memref<1x100000xf32, #tpu.memory_space<hbm>> -> memref<100000xf32, #tpu.memory_space<hbm>>
    %dma_start3A_164 = arith.constant 0 : i32
    %dma_start3A_165 = tpu.memref_slice %arg3[%add3A_132, %dma_start3A_164] : memref<1024x100000xf32, #tpu.memory_space<hbm>> -> memref<1x100000xf32, #tpu.memory_space<hbm>>
    %dma_start3A_166 = tpu.memref_squeeze %dma_start3A_165 : memref<1x100000xf32, #tpu.memory_space<hbm>> -> memref<100000xf32, #tpu.memory_space<hbm>>
    tpu.enqueue_dma source(%arg4 : memref<100000xf32, #tpu.memory_space<vmem>>) target(%dma_start3A_166 : memref<100000xf32, #tpu.memory_space<hbm>>) target_semaphore(%arg5 : memref<!tpu.dma_semaphore, #tpu.memory_space<semaphore_mem>>)
    %dma_start3A_167 = arith.constant 0 : i32
    %dma_start3A_168 = tpu.memref_slice %arg3[%add3A_136, %dma_start3A_167] : memref<1024x100000xf32, #tpu.memory_space<hbm>> -> memref<1x100000xf32, #tpu.memory_space<hbm>>
    %dma_start3A_169 = tpu.memref_squeeze %dma_start3A_168 : memref<1x100000xf32, #tpu.memory_space<hbm>> -> memref<100000xf32, #tpu.memory_space<hbm>>
    %dma_start3A_170 = arith.constant 0 : i32
    %dma_start3A_171 = tpu.memref_slice %arg3[%add3A_136, %dma_start3A_170] : memref<1024x100000xf32, #tpu.memory_space<hbm>> -> memref<1x100000xf32, #tpu.memory_space<hbm>>
    %dma_start3A_172 = tpu.memref_squeeze %dma_start3A_171 : memref<1x100000xf32, #tpu.memory_space<hbm>> -> memref<100000xf32, #tpu.memory_space<hbm>>
    tpu.enqueue_dma source(%arg4 : memref<100000xf32, #tpu.memory_space<vmem>>) target(%dma_start3A_172 : memref<100000xf32, #tpu.memory_space<hbm>>) target_semaphore(%arg5 : memref<!tpu.dma_semaphore, #tpu.memory_space<semaphore_mem>>)
    %dma_start3A_173 = arith.constant 0 : i32
    %dma_start3A_174 = tpu.memref_slice %arg3[%add3A_140, %dma_start3A_173] : memref<1024x100000xf32, #tpu.memory_space<hbm>> -> memref<1x100000xf32, #tpu.memory_space<hbm>>
    %dma_start3A_175 = tpu.memref_squeeze %dma_start3A_174 : memref<1x100000xf32, #tpu.memory_space<hbm>> -> memref<100000xf32, #tpu.memory_space<hbm>>
    %dma_start3A_176 = arith.constant 0 : i32
    %dma_start3A_177 = tpu.memref_slice %arg3[%add3A_140, %dma_start3A_176] : memref<1024x100000xf32, #tpu.memory_space<hbm>> -> memref<1x100000xf32, #tpu.memory_space<hbm>>
    %dma_start3A_178 = tpu.memref_squeeze %dma_start3A_177 : memref<1x100000xf32, #tpu.memory_space<hbm>> -> memref<100000xf32, #tpu.memory_space<hbm>>
    tpu.enqueue_dma source(%arg4 : memref<100000xf32, #tpu.memory_space<vmem>>) target(%dma_start3A_178 : memref<100000xf32, #tpu.memory_space<hbm>>) target_semaphore(%arg5 : memref<!tpu.dma_semaphore, #tpu.memory_space<semaphore_mem>>)
    %dma_start3A_179 = arith.constant 0 : i32
    %dma_start3A_180 = tpu.memref_slice %arg3[%add3A_144, %dma_start3A_179] : memref<1024x100000xf32, #tpu.memory_space<hbm>> -> memref<1x100000xf32, #tpu.memory_space<hbm>>
    %dma_start3A_181 = tpu.memref_squeeze %dma_start3A_180 : memref<1x100000xf32, #tpu.memory_space<hbm>> -> memref<100000xf32, #tpu.memory_space<hbm>>
    %dma_start3A_182 = arith.constant 0 : i32
    %dma_start3A_183 = tpu.memref_slice %arg3[%add3A_144, %dma_start3A_182] : memref<1024x100000xf32, #tpu.memory_space<hbm>> -> memref<1x100000xf32, #tpu.memory_space<hbm>>
    %dma_start3A_184 = tpu.memref_squeeze %dma_start3A_183 : memref<1x100000xf32, #tpu.memory_space<hbm>> -> memref<100000xf32, #tpu.memory_space<hbm>>
    tpu.enqueue_dma source(%arg4 : memref<100000xf32, #tpu.memory_space<vmem>>) target(%dma_start3A_184 : memref<100000xf32, #tpu.memory_space<hbm>>) target_semaphore(%arg5 : memref<!tpu.dma_semaphore, #tpu.memory_space<semaphore_mem>>)
    %dma_start3A_185 = arith.constant 0 : i32
    %dma_start3A_186 = tpu.memref_slice %arg3[%add3A_148, %dma_start3A_185] : memref<1024x100000xf32, #tpu.memory_space<hbm>> -> memref<1x100000xf32, #tpu.memory_space<hbm>>
    %dma_start3A_187 = tpu.memref_squeeze %dma_start3A_186 : memref<1x100000xf32, #tpu.memory_space<hbm>> -> memref<100000xf32, #tpu.memory_space<hbm>>
    %dma_start3A_188 = arith.constant 0 : i32
    %dma_start3A_189 = tpu.memref_slice %arg3[%add3A_148, %dma_start3A_188] : memref<1024x100000xf32, #tpu.memory_space<hbm>> -> memref<1x100000xf32, #tpu.memory_space<hbm>>
    %dma_start3A_190 = tpu.memref_squeeze %dma_start3A_189 : memref<1x100000xf32, #tpu.memory_space<hbm>> -> memref<100000xf32, #tpu.memory_space<hbm>>
    tpu.enqueue_dma source(%arg4 : memref<100000xf32, #tpu.memory_space<vmem>>) target(%dma_start3A_190 : memref<100000xf32, #tpu.memory_space<hbm>>) target_semaphore(%arg5 : memref<!tpu.dma_semaphore, #tpu.memory_space<semaphore_mem>>)
    %dma_start3A_191 = arith.constant 0 : i32
    %dma_start3A_192 = tpu.memref_slice %arg3[%add3A_152, %dma_start3A_191] : memref<1024x100000xf32, #tpu.memory_space<hbm>> -> memref<1x100000xf32, #tpu.memory_space<hbm>>
    %dma_start3A_193 = tpu.memref_squeeze %dma_start3A_192 : memref<1x100000xf32, #tpu.memory_space<hbm>> -> memref<100000xf32, #tpu.memory_space<hbm>>
    %dma_start3A_194 = arith.constant 0 : i32
    %dma_start3A_195 = tpu.memref_slice %arg3[%add3A_152, %dma_start3A_194] : memref<1024x100000xf32, #tpu.memory_space<hbm>> -> memref<1x100000xf32, #tpu.memory_space<hbm>>
    %dma_start3A_196 = tpu.memref_squeeze %dma_start3A_195 : memref<1x100000xf32, #tpu.memory_space<hbm>> -> memref<100000xf32, #tpu.memory_space<hbm>>
    tpu.enqueue_dma source(%arg4 : memref<100000xf32, #tpu.memory_space<vmem>>) target(%dma_start3A_196 : memref<100000xf32, #tpu.memory_space<hbm>>) target_semaphore(%arg5 : memref<!tpu.dma_semaphore, #tpu.memory_space<semaphore_mem>>)
    %dma_start3A_197 = arith.constant 0 : i32
    %dma_start3A_198 = tpu.memref_slice %arg3[%add3A_156, %dma_start3A_197] : memref<1024x100000xf32, #tpu.memory_space<hbm>> -> memref<1x100000xf32, #tpu.memory_space<hbm>>
    %dma_start3A_199 = tpu.memref_squeeze %dma_start3A_198 : memref<1x100000xf32, #tpu.memory_space<hbm>> -> memref<100000xf32, #tpu.memory_space<hbm>>
    %dma_start3A_200 = arith.constant 0 : i32
    %dma_start3A_201 = tpu.memref_slice %arg3[%add3A_156, %dma_start3A_200] : memref<1024x100000xf32, #tpu.memory_space<hbm>> -> memref<1x100000xf32, #tpu.memory_space<hbm>>
    %dma_start3A_202 = tpu.memref_squeeze %dma_start3A_201 : memref<1x100000xf32, #tpu.memory_space<hbm>> -> memref<100000xf32, #tpu.memory_space<hbm>>
    tpu.enqueue_dma source(%arg4 : memref<100000xf32, #tpu.memory_space<vmem>>) target(%dma_start3A_202 : memref<100000xf32, #tpu.memory_space<hbm>>) target_semaphore(%arg5 : memref<!tpu.dma_semaphore, #tpu.memory_space<semaphore_mem>>)
    %dma_start3A_203 = arith.constant 0 : i32
    %dma_start3A_204 = tpu.memref_slice %arg3[%add3A_160, %dma_start3A_203] : memref<1024x100000xf32, #tpu.memory_space<hbm>> -> memref<1x100000xf32, #tpu.memory_space<hbm>>
    %dma_start3A_205 = tpu.memref_squeeze %dma_start3A_204 : memref<1x100000xf32, #tpu.memory_space<hbm>> -> memref<100000xf32, #tpu.memory_space<hbm>>
    %dma_start3A_206 = arith.constant 0 : i32
    %dma_start3A_207 = tpu.memref_slice %arg3[%add3A_160, %dma_start3A_206] : memref<1024x100000xf32, #tpu.memory_space<hbm>> -> memref<1x100000xf32, #tpu.memory_space<hbm>>
    %dma_start3A_208 = tpu.memref_squeeze %dma_start3A_207 : memref<1x100000xf32, #tpu.memory_space<hbm>> -> memref<100000xf32, #tpu.memory_space<hbm>>
    tpu.enqueue_dma source(%arg4 : memref<100000xf32, #tpu.memory_space<vmem>>) target(%dma_start3A_208 : memref<100000xf32, #tpu.memory_space<hbm>>) target_semaphore(%arg5 : memref<!tpu.dma_semaphore, #tpu.memory_space<semaphore_mem>>)
    %dma_wait3A_209 = arith.constant 0 : i32
    %dma_wait3A_210 = tpu.memref_slice %arg3[%add3A_132, %dma_wait3A_209] : memref<1024x100000xf32, #tpu.memory_space<hbm>> -> memref<1x100000xf32, #tpu.memory_space<hbm>>
    %dma_wait3A_211 = tpu.memref_squeeze %dma_wait3A_210 : memref<1x100000xf32, #tpu.memory_space<hbm>> -> memref<100000xf32, #tpu.memory_space<hbm>>
    %dma_wait3A_212 = arith.constant 0 : i32
    %dma_wait3A_213 = tpu.memref_slice %arg3[%add3A_132, %dma_wait3A_212] : memref<1024x100000xf32, #tpu.memory_space<hbm>> -> memref<1x100000xf32, #tpu.memory_space<hbm>>
    %dma_wait3A_214 = tpu.memref_squeeze %dma_wait3A_213 : memref<1x100000xf32, #tpu.memory_space<hbm>> -> memref<100000xf32, #tpu.memory_space<hbm>>
    tpu.wait_dma2 semaphore(%arg5 : memref<!tpu.dma_semaphore, #tpu.memory_space<semaphore_mem>>) src(%arg4 : memref<100000xf32, #tpu.memory_space<vmem>>) dst(%dma_wait3A_214 : memref<100000xf32, #tpu.memory_space<hbm>>)
    %dma_wait3A_215 = arith.constant 0 : i32
    %dma_wait3A_216 = tpu.memref_slice %arg3[%add3A_136, %dma_wait3A_215] : memref<1024x100000xf32, #tpu.memory_space<hbm>> -> memref<1x100000xf32, #tpu.memory_space<hbm>>
    %dma_wait3A_217 = tpu.memref_squeeze %dma_wait3A_216 : memref<1x100000xf32, #tpu.memory_space<hbm>> -> memref<100000xf32, #tpu.memory_space<hbm>>
    %dma_wait3A_218 = arith.constant 0 : i32
    %dma_wait3A_219 = tpu.memref_slice %arg3[%add3A_136, %dma_wait3A_218] : memref<1024x100000xf32, #tpu.memory_space<hbm>> -> memref<1x100000xf32, #tpu.memory_space<hbm>>
    %dma_wait3A_220 = tpu.memref_squeeze %dma_wait3A_219 : memref<1x100000xf32, #tpu.memory_space<hbm>> -> memref<100000xf32, #tpu.memory_space<hbm>>
    tpu.wait_dma2 semaphore(%arg5 : memref<!tpu.dma_semaphore, #tpu.memory_space<semaphore_mem>>) src(%arg4 : memref<100000xf32, #tpu.memory_space<vmem>>) dst(%dma_wait3A_220 : memref<100000xf32, #tpu.memory_space<hbm>>)
    %dma_wait3A_221 = arith.constant 0 : i32
    %dma_wait3A_222 = tpu.memref_slice %arg3[%add3A_140, %dma_wait3A_221] : memref<1024x100000xf32, #tpu.memory_space<hbm>> -> memref<1x100000xf32, #tpu.memory_space<hbm>>
    %dma_wait3A_223 = tpu.memref_squeeze %dma_wait3A_222 : memref<1x100000xf32, #tpu.memory_space<hbm>> -> memref<100000xf32, #tpu.memory_space<hbm>>
    %dma_wait3A_224 = arith.constant 0 : i32
    %dma_wait3A_225 = tpu.memref_slice %arg3[%add3A_140, %dma_wait3A_224] : memref<1024x100000xf32, #tpu.memory_space<hbm>> -> memref<1x100000xf32, #tpu.memory_space<hbm>>
    %dma_wait3A_226 = tpu.memref_squeeze %dma_wait3A_225 : memref<1x100000xf32, #tpu.memory_space<hbm>> -> memref<100000xf32, #tpu.memory_space<hbm>>
    tpu.wait_dma2 semaphore(%arg5 : memref<!tpu.dma_semaphore, #tpu.memory_space<semaphore_mem>>) src(%arg4 : memref<100000xf32, #tpu.memory_space<vmem>>) dst(%dma_wait3A_226 : memref<100000xf32, #tpu.memory_space<hbm>>)
    %dma_wait3A_227 = arith.constant 0 : i32
    %dma_wait3A_228 = tpu.memref_slice %arg3[%add3A_144, %dma_wait3A_227] : memref<1024x100000xf32, #tpu.memory_space<hbm>> -> memref<1x100000xf32, #tpu.memory_space<hbm>>
    %dma_wait3A_229 = tpu.memref_squeeze %dma_wait3A_228 : memref<1x100000xf32, #tpu.memory_space<hbm>> -> memref<100000xf32, #tpu.memory_space<hbm>>
    %dma_wait3A_230 = arith.constant 0 : i32
    %dma_wait3A_231 = tpu.memref_slice %arg3[%add3A_144, %dma_wait3A_230] : memref<1024x100000xf32, #tpu.memory_space<hbm>> -> memref<1x100000xf32, #tpu.memory_space<hbm>>
    %dma_wait3A_232 = tpu.memref_squeeze %dma_wait3A_231 : memref<1x100000xf32, #tpu.memory_space<hbm>> -> memref<100000xf32, #tpu.memory_space<hbm>>
    tpu.wait_dma2 semaphore(%arg5 : memref<!tpu.dma_semaphore, #tpu.memory_space<semaphore_mem>>) src(%arg4 : memref<100000xf32, #tpu.memory_space<vmem>>) dst(%dma_wait3A_232 : memref<100000xf32, #tpu.memory_space<hbm>>)
    %dma_wait3A_233 = arith.constant 0 : i32
    %dma_wait3A_234 = tpu.memref_slice %arg3[%add3A_148, %dma_wait3A_233] : memref<1024x100000xf32, #tpu.memory_space<hbm>> -> memref<1x100000xf32, #tpu.memory_space<hbm>>
    %dma_wait3A_235 = tpu.memref_squeeze %dma_wait3A_234 : memref<1x100000xf32, #tpu.memory_space<hbm>> -> memref<100000xf32, #tpu.memory_space<hbm>>
    %dma_wait3A_236 = arith.constant 0 : i32
    %dma_wait3A_237 = tpu.memref_slice %arg3[%add3A_148, %dma_wait3A_236] : memref<1024x100000xf32, #tpu.memory_space<hbm>> -> memref<1x100000xf32, #tpu.memory_space<hbm>>
    %dma_wait3A_238 = tpu.memref_squeeze %dma_wait3A_237 : memref<1x100000xf32, #tpu.memory_space<hbm>> -> memref<100000xf32, #tpu.memory_space<hbm>>
    tpu.wait_dma2 semaphore(%arg5 : memref<!tpu.dma_semaphore, #tpu.memory_space<semaphore_mem>>) src(%arg4 : memref<100000xf32, #tpu.memory_space<vmem>>) dst(%dma_wait3A_238 : memref<100000xf32, #tpu.memory_space<hbm>>)
    %dma_wait3A_239 = arith.constant 0 : i32
    %dma_wait3A_240 = tpu.memref_slice %arg3[%add3A_152, %dma_wait3A_239] : memref<1024x100000xf32, #tpu.memory_space<hbm>> -> memref<1x100000xf32, #tpu.memory_space<hbm>>
    %dma_wait3A_241 = tpu.memref_squeeze %dma_wait3A_240 : memref<1x100000xf32, #tpu.memory_space<hbm>> -> memref<100000xf32, #tpu.memory_space<hbm>>
    %dma_wait3A_242 = arith.constant 0 : i32
    %dma_wait3A_243 = tpu.memref_slice %arg3[%add3A_152, %dma_wait3A_242] : memref<1024x100000xf32, #tpu.memory_space<hbm>> -> memref<1x100000xf32, #tpu.memory_space<hbm>>
    %dma_wait3A_244 = tpu.memref_squeeze %dma_wait3A_243 : memref<1x100000xf32, #tpu.memory_space<hbm>> -> memref<100000xf32, #tpu.memory_space<hbm>>
    tpu.wait_dma2 semaphore(%arg5 : memref<!tpu.dma_semaphore, #tpu.memory_space<semaphore_mem>>) src(%arg4 : memref<100000xf32, #tpu.memory_space<vmem>>) dst(%dma_wait3A_244 : memref<100000xf32, #tpu.memory_space<hbm>>)
    %dma_wait3A_245 = arith.constant 0 : i32
    %dma_wait3A_246 = tpu.memref_slice %arg3[%add3A_156, %dma_wait3A_245] : memref<1024x100000xf32, #tpu.memory_space<hbm>> -> memref<1x100000xf32, #tpu.memory_space<hbm>>
    %dma_wait3A_247 = tpu.memref_squeeze %dma_wait3A_246 : memref<1x100000xf32, #tpu.memory_space<hbm>> -> memref<100000xf32, #tpu.memory_space<hbm>>
    %dma_wait3A_248 = arith.constant 0 : i32
    %dma_wait3A_249 = tpu.memref_slice %arg3[%add3A_156, %dma_wait3A_248] : memref<1024x100000xf32, #tpu.memory_space<hbm>> -> memref<1x100000xf32, #tpu.memory_space<hbm>>
    %dma_wait3A_250 = tpu.memref_squeeze %dma_wait3A_249 : memref<1x100000xf32, #tpu.memory_space<hbm>> -> memref<100000xf32, #tpu.memory_space<hbm>>
    tpu.wait_dma2 semaphore(%arg5 : memref<!tpu.dma_semaphore, #tpu.memory_space<semaphore_mem>>) src(%arg4 : memref<100000xf32, #tpu.memory_space<vmem>>) dst(%dma_wait3A_250 : memref<100000xf32, #tpu.memory_space<hbm>>)
    %dma_wait3A_251 = arith.constant 0 : i32
    %dma_wait3A_252 = tpu.memref_slice %arg3[%add3A_160, %dma_wait3A_251] : memref<1024x100000xf32, #tpu.memory_space<hbm>> -> memref<1x100000xf32, #tpu.memory_space<hbm>>
    %dma_wait3A_253 = tpu.memref_squeeze %dma_wait3A_252 : memref<1x100000xf32, #tpu.memory_space<hbm>> -> memref<100000xf32, #tpu.memory_space<hbm>>
    %dma_wait3A_254 = arith.constant 0 : i32
    %dma_wait3A_255 = tpu.memref_slice %arg3[%add3A_160, %dma_wait3A_254] : memref<1024x100000xf32, #tpu.memory_space<hbm>> -> memref<1x100000xf32, #tpu.memory_space<hbm>>
    %dma_wait3A_256 = tpu.memref_squeeze %dma_wait3A_255 : memref<1x100000xf32, #tpu.memory_space<hbm>> -> memref<100000xf32, #tpu.memory_space<hbm>>
    tpu.wait_dma2 semaphore(%arg5 : memref<!tpu.dma_semaphore, #tpu.memory_space<semaphore_mem>>) src(%arg4 : memref<100000xf32, #tpu.memory_space<vmem>>) dst(%dma_wait3A_256 : memref<100000xf32, #tpu.memory_space<hbm>>)
    %add3A_257 = arith.constant 16 : i32
    %add3A_258 = arith.addi %mul3A_2, %add3A_257 : i32
    %add3A_259 = arith.constant 0 : i32
    %add3A_260 = arith.addi %add3A_258, %add3A_259 : i32
    %add3A_261 = arith.constant 16 : i32
    %add3A_262 = arith.addi %mul3A_2, %add3A_261 : i32
    %add3A_263 = arith.constant 1 : i32
    %add3A_264 = arith.addi %add3A_262, %add3A_263 : i32
    %add3A_265 = arith.constant 16 : i32
    %add3A_266 = arith.addi %mul3A_2, %add3A_265 : i32
    %add3A_267 = arith.constant 2 : i32
    %add3A_268 = arith.addi %add3A_266, %add3A_267 : i32
    %add3A_269 = arith.constant 16 : i32
    %add3A_270 = arith.addi %mul3A_2, %add3A_269 : i32
    %add3A_271 = arith.constant 3 : i32
    %add3A_272 = arith.addi %add3A_270, %add3A_271 : i32
    %add3A_273 = arith.constant 16 : i32
    %add3A_274 = arith.addi %mul3A_2, %add3A_273 : i32
    %add3A_275 = arith.constant 4 : i32
    %add3A_276 = arith.addi %add3A_274, %add3A_275 : i32
    %add3A_277 = arith.constant 16 : i32
    %add3A_278 = arith.addi %mul3A_2, %add3A_277 : i32
    %add3A_279 = arith.constant 5 : i32
    %add3A_280 = arith.addi %add3A_278, %add3A_279 : i32
    %add3A_281 = arith.constant 16 : i32
    %add3A_282 = arith.addi %mul3A_2, %add3A_281 : i32
    %add3A_283 = arith.constant 6 : i32
    %add3A_284 = arith.addi %add3A_282, %add3A_283 : i32
    %add3A_285 = arith.constant 16 : i32
    %add3A_286 = arith.addi %mul3A_2, %add3A_285 : i32
    %add3A_287 = arith.constant 7 : i32
    %add3A_288 = arith.addi %add3A_286, %add3A_287 : i32
    %dma_start3A_289 = arith.constant 0 : i32
    %dma_start3A_290 = tpu.memref_slice %arg3[%add3A_260, %dma_start3A_289] : memref<1024x100000xf32, #tpu.memory_space<hbm>> -> memref<1x100000xf32, #tpu.memory_space<hbm>>
    %dma_start3A_291 = tpu.memref_squeeze %dma_start3A_290 : memref<1x100000xf32, #tpu.memory_space<hbm>> -> memref<100000xf32, #tpu.memory_space<hbm>>
    %dma_start3A_292 = arith.constant 0 : i32
    %dma_start3A_293 = tpu.memref_slice %arg3[%add3A_260, %dma_start3A_292] : memref<1024x100000xf32, #tpu.memory_space<hbm>> -> memref<1x100000xf32, #tpu.memory_space<hbm>>
    %dma_start3A_294 = tpu.memref_squeeze %dma_start3A_293 : memref<1x100000xf32, #tpu.memory_space<hbm>> -> memref<100000xf32, #tpu.memory_space<hbm>>
    tpu.enqueue_dma source(%arg4 : memref<100000xf32, #tpu.memory_space<vmem>>) target(%dma_start3A_294 : memref<100000xf32, #tpu.memory_space<hbm>>) target_semaphore(%arg5 : memref<!tpu.dma_semaphore, #tpu.memory_space<semaphore_mem>>)
    %dma_start3A_295 = arith.constant 0 : i32
    %dma_start3A_296 = tpu.memref_slice %arg3[%add3A_264, %dma_start3A_295] : memref<1024x100000xf32, #tpu.memory_space<hbm>> -> memref<1x100000xf32, #tpu.memory_space<hbm>>
    %dma_start3A_297 = tpu.memref_squeeze %dma_start3A_296 : memref<1x100000xf32, #tpu.memory_space<hbm>> -> memref<100000xf32, #tpu.memory_space<hbm>>
    %dma_start3A_298 = arith.constant 0 : i32
    %dma_start3A_299 = tpu.memref_slice %arg3[%add3A_264, %dma_start3A_298] : memref<1024x100000xf32, #tpu.memory_space<hbm>> -> memref<1x100000xf32, #tpu.memory_space<hbm>>
    %dma_start3A_300 = tpu.memref_squeeze %dma_start3A_299 : memref<1x100000xf32, #tpu.memory_space<hbm>> -> memref<100000xf32, #tpu.memory_space<hbm>>
    tpu.enqueue_dma source(%arg4 : memref<100000xf32, #tpu.memory_space<vmem>>) target(%dma_start3A_300 : memref<100000xf32, #tpu.memory_space<hbm>>) target_semaphore(%arg5 : memref<!tpu.dma_semaphore, #tpu.memory_space<semaphore_mem>>)
    %dma_start3A_301 = arith.constant 0 : i32
    %dma_start3A_302 = tpu.memref_slice %arg3[%add3A_268, %dma_start3A_301] : memref<1024x100000xf32, #tpu.memory_space<hbm>> -> memref<1x100000xf32, #tpu.memory_space<hbm>>
    %dma_start3A_303 = tpu.memref_squeeze %dma_start3A_302 : memref<1x100000xf32, #tpu.memory_space<hbm>> -> memref<100000xf32, #tpu.memory_space<hbm>>
    %dma_start3A_304 = arith.constant 0 : i32
    %dma_start3A_305 = tpu.memref_slice %arg3[%add3A_268, %dma_start3A_304] : memref<1024x100000xf32, #tpu.memory_space<hbm>> -> memref<1x100000xf32, #tpu.memory_space<hbm>>
    %dma_start3A_306 = tpu.memref_squeeze %dma_start3A_305 : memref<1x100000xf32, #tpu.memory_space<hbm>> -> memref<100000xf32, #tpu.memory_space<hbm>>
    tpu.enqueue_dma source(%arg4 : memref<100000xf32, #tpu.memory_space<vmem>>) target(%dma_start3A_306 : memref<100000xf32, #tpu.memory_space<hbm>>) target_semaphore(%arg5 : memref<!tpu.dma_semaphore, #tpu.memory_space<semaphore_mem>>)
    %dma_start3A_307 = arith.constant 0 : i32
    %dma_start3A_308 = tpu.memref_slice %arg3[%add3A_272, %dma_start3A_307] : memref<1024x100000xf32, #tpu.memory_space<hbm>> -> memref<1x100000xf32, #tpu.memory_space<hbm>>
    %dma_start3A_309 = tpu.memref_squeeze %dma_start3A_308 : memref<1x100000xf32, #tpu.memory_space<hbm>> -> memref<100000xf32, #tpu.memory_space<hbm>>
    %dma_start3A_310 = arith.constant 0 : i32
    %dma_start3A_311 = tpu.memref_slice %arg3[%add3A_272, %dma_start3A_310] : memref<1024x100000xf32, #tpu.memory_space<hbm>> -> memref<1x100000xf32, #tpu.memory_space<hbm>>
    %dma_start3A_312 = tpu.memref_squeeze %dma_start3A_311 : memref<1x100000xf32, #tpu.memory_space<hbm>> -> memref<100000xf32, #tpu.memory_space<hbm>>
    tpu.enqueue_dma source(%arg4 : memref<100000xf32, #tpu.memory_space<vmem>>) target(%dma_start3A_312 : memref<100000xf32, #tpu.memory_space<hbm>>) target_semaphore(%arg5 : memref<!tpu.dma_semaphore, #tpu.memory_space<semaphore_mem>>)
    %dma_start3A_313 = arith.constant 0 : i32
    %dma_start3A_314 = tpu.memref_slice %arg3[%add3A_276, %dma_start3A_313] : memref<1024x100000xf32, #tpu.memory_space<hbm>> -> memref<1x100000xf32, #tpu.memory_space<hbm>>
    %dma_start3A_315 = tpu.memref_squeeze %dma_start3A_314 : memref<1x100000xf32, #tpu.memory_space<hbm>> -> memref<100000xf32, #tpu.memory_space<hbm>>
    %dma_start3A_316 = arith.constant 0 : i32
    %dma_start3A_317 = tpu.memref_slice %arg3[%add3A_276, %dma_start3A_316] : memref<1024x100000xf32, #tpu.memory_space<hbm>> -> memref<1x100000xf32, #tpu.memory_space<hbm>>
    %dma_start3A_318 = tpu.memref_squeeze %dma_start3A_317 : memref<1x100000xf32, #tpu.memory_space<hbm>> -> memref<100000xf32, #tpu.memory_space<hbm>>
    tpu.enqueue_dma source(%arg4 : memref<100000xf32, #tpu.memory_space<vmem>>) target(%dma_start3A_318 : memref<100000xf32, #tpu.memory_space<hbm>>) target_semaphore(%arg5 : memref<!tpu.dma_semaphore, #tpu.memory_space<semaphore_mem>>)
    %dma_start3A_319 = arith.constant 0 : i32
    %dma_start3A_320 = tpu.memref_slice %arg3[%add3A_280, %dma_start3A_319] : memref<1024x100000xf32, #tpu.memory_space<hbm>> -> memref<1x100000xf32, #tpu.memory_space<hbm>>
    %dma_start3A_321 = tpu.memref_squeeze %dma_start3A_320 : memref<1x100000xf32, #tpu.memory_space<hbm>> -> memref<100000xf32, #tpu.memory_space<hbm>>
    %dma_start3A_322 = arith.constant 0 : i32
    %dma_start3A_323 = tpu.memref_slice %arg3[%add3A_280, %dma_start3A_322] : memref<1024x100000xf32, #tpu.memory_space<hbm>> -> memref<1x100000xf32, #tpu.memory_space<hbm>>
    %dma_start3A_324 = tpu.memref_squeeze %dma_start3A_323 : memref<1x100000xf32, #tpu.memory_space<hbm>> -> memref<100000xf32, #tpu.memory_space<hbm>>
    tpu.enqueue_dma source(%arg4 : memref<100000xf32, #tpu.memory_space<vmem>>) target(%dma_start3A_324 : memref<100000xf32, #tpu.memory_space<hbm>>) target_semaphore(%arg5 : memref<!tpu.dma_semaphore, #tpu.memory_space<semaphore_mem>>)
    %dma_start3A_325 = arith.constant 0 : i32
    %dma_start3A_326 = tpu.memref_slice %arg3[%add3A_284, %dma_start3A_325] : memref<1024x100000xf32, #tpu.memory_space<hbm>> -> memref<1x100000xf32, #tpu.memory_space<hbm>>
    %dma_start3A_327 = tpu.memref_squeeze %dma_start3A_326 : memref<1x100000xf32, #tpu.memory_space<hbm>> -> memref<100000xf32, #tpu.memory_space<hbm>>
    %dma_start3A_328 = arith.constant 0 : i32
    %dma_start3A_329 = tpu.memref_slice %arg3[%add3A_284, %dma_start3A_328] : memref<1024x100000xf32, #tpu.memory_space<hbm>> -> memref<1x100000xf32, #tpu.memory_space<hbm>>
    %dma_start3A_330 = tpu.memref_squeeze %dma_start3A_329 : memref<1x100000xf32, #tpu.memory_space<hbm>> -> memref<100000xf32, #tpu.memory_space<hbm>>
    tpu.enqueue_dma source(%arg4 : memref<100000xf32, #tpu.memory_space<vmem>>) target(%dma_start3A_330 : memref<100000xf32, #tpu.memory_space<hbm>>) target_semaphore(%arg5 : memref<!tpu.dma_semaphore, #tpu.memory_space<semaphore_mem>>)
    %dma_start3A_331 = arith.constant 0 : i32
    %dma_start3A_332 = tpu.memref_slice %arg3[%add3A_288, %dma_start3A_331] : memref<1024x100000xf32, #tpu.memory_space<hbm>> -> memref<1x100000xf32, #tpu.memory_space<hbm>>
    %dma_start3A_333 = tpu.memref_squeeze %dma_start3A_332 : memref<1x100000xf32, #tpu.memory_space<hbm>> -> memref<100000xf32, #tpu.memory_space<hbm>>
    %dma_start3A_334 = arith.constant 0 : i32
    %dma_start3A_335 = tpu.memref_slice %arg3[%add3A_288, %dma_start3A_334] : memref<1024x100000xf32, #tpu.memory_space<hbm>> -> memref<1x100000xf32, #tpu.memory_space<hbm>>
    %dma_start3A_336 = tpu.memref_squeeze %dma_start3A_335 : memref<1x100000xf32, #tpu.memory_space<hbm>> -> memref<100000xf32, #tpu.memory_space<hbm>>
    tpu.enqueue_dma source(%arg4 : memref<100000xf32, #tpu.memory_space<vmem>>) target(%dma_start3A_336 : memref<100000xf32, #tpu.memory_space<hbm>>) target_semaphore(%arg5 : memref<!tpu.dma_semaphore, #tpu.memory_space<semaphore_mem>>)
    %dma_wait3A_337 = arith.constant 0 : i32
    %dma_wait3A_338 = tpu.memref_slice %arg3[%add3A_260, %dma_wait3A_337] : memref<1024x100000xf32, #tpu.memory_space<hbm>> -> memref<1x100000xf32, #tpu.memory_space<hbm>>
    %dma_wait3A_339 = tpu.memref_squeeze %dma_wait3A_338 : memref<1x100000xf32, #tpu.memory_space<hbm>> -> memref<100000xf32, #tpu.memory_space<hbm>>
    %dma_wait3A_340 = arith.constant 0 : i32
    %dma_wait3A_341 = tpu.memref_slice %arg3[%add3A_260, %dma_wait3A_340] : memref<1024x100000xf32, #tpu.memory_space<hbm>> -> memref<1x100000xf32, #tpu.memory_space<hbm>>
    %dma_wait3A_342 = tpu.memref_squeeze %dma_wait3A_341 : memref<1x100000xf32, #tpu.memory_space<hbm>> -> memref<100000xf32, #tpu.memory_space<hbm>>
    tpu.wait_dma2 semaphore(%arg5 : memref<!tpu.dma_semaphore, #tpu.memory_space<semaphore_mem>>) src(%arg4 : memref<100000xf32, #tpu.memory_space<vmem>>) dst(%dma_wait3A_342 : memref<100000xf32, #tpu.memory_space<hbm>>)
    %dma_wait3A_343 = arith.constant 0 : i32
    %dma_wait3A_344 = tpu.memref_slice %arg3[%add3A_264, %dma_wait3A_343] : memref<1024x100000xf32, #tpu.memory_space<hbm>> -> memref<1x100000xf32, #tpu.memory_space<hbm>>
    %dma_wait3A_345 = tpu.memref_squeeze %dma_wait3A_344 : memref<1x100000xf32, #tpu.memory_space<hbm>> -> memref<100000xf32, #tpu.memory_space<hbm>>
    %dma_wait3A_346 = arith.constant 0 : i32
    %dma_wait3A_347 = tpu.memref_slice %arg3[%add3A_264, %dma_wait3A_346] : memref<1024x100000xf32, #tpu.memory_space<hbm>> -> memref<1x100000xf32, #tpu.memory_space<hbm>>
    %dma_wait3A_348 = tpu.memref_squeeze %dma_wait3A_347 : memref<1x100000xf32, #tpu.memory_space<hbm>> -> memref<100000xf32, #tpu.memory_space<hbm>>
    tpu.wait_dma2 semaphore(%arg5 : memref<!tpu.dma_semaphore, #tpu.memory_space<semaphore_mem>>) src(%arg4 : memref<100000xf32, #tpu.memory_space<vmem>>) dst(%dma_wait3A_348 : memref<100000xf32, #tpu.memory_space<hbm>>)
    %dma_wait3A_349 = arith.constant 0 : i32
    %dma_wait3A_350 = tpu.memref_slice %arg3[%add3A_268, %dma_wait3A_349] : memref<1024x100000xf32, #tpu.memory_space<hbm>> -> memref<1x100000xf32, #tpu.memory_space<hbm>>
    %dma_wait3A_351 = tpu.memref_squeeze %dma_wait3A_350 : memref<1x100000xf32, #tpu.memory_space<hbm>> -> memref<100000xf32, #tpu.memory_space<hbm>>
    %dma_wait3A_352 = arith.constant 0 : i32
    %dma_wait3A_353 = tpu.memref_slice %arg3[%add3A_268, %dma_wait3A_352] : memref<1024x100000xf32, #tpu.memory_space<hbm>> -> memref<1x100000xf32, #tpu.memory_space<hbm>>
    %dma_wait3A_354 = tpu.memref_squeeze %dma_wait3A_353 : memref<1x100000xf32, #tpu.memory_space<hbm>> -> memref<100000xf32, #tpu.memory_space<hbm>>
    tpu.wait_dma2 semaphore(%arg5 : memref<!tpu.dma_semaphore, #tpu.memory_space<semaphore_mem>>) src(%arg4 : memref<100000xf32, #tpu.memory_space<vmem>>) dst(%dma_wait3A_354 : memref<100000xf32, #tpu.memory_space<hbm>>)
    %dma_wait3A_355 = arith.constant 0 : i32
    %dma_wait3A_356 = tpu.memref_slice %arg3[%add3A_272, %dma_wait3A_355] : memref<1024x100000xf32, #tpu.memory_space<hbm>> -> memref<1x100000xf32, #tpu.memory_space<hbm>>
    %dma_wait3A_357 = tpu.memref_squeeze %dma_wait3A_356 : memref<1x100000xf32, #tpu.memory_space<hbm>> -> memref<100000xf32, #tpu.memory_space<hbm>>
    %dma_wait3A_358 = arith.constant 0 : i32
    %dma_wait3A_359 = tpu.memref_slice %arg3[%add3A_272, %dma_wait3A_358] : memref<1024x100000xf32, #tpu.memory_space<hbm>> -> memref<1x100000xf32, #tpu.memory_space<hbm>>
    %dma_wait3A_360 = tpu.memref_squeeze %dma_wait3A_359 : memref<1x100000xf32, #tpu.memory_space<hbm>> -> memref<100000xf32, #tpu.memory_space<hbm>>
    tpu.wait_dma2 semaphore(%arg5 : memref<!tpu.dma_semaphore, #tpu.memory_space<semaphore_mem>>) src(%arg4 : memref<100000xf32, #tpu.memory_space<vmem>>) dst(%dma_wait3A_360 : memref<100000xf32, #tpu.memory_space<hbm>>)
    %dma_wait3A_361 = arith.constant 0 : i32
    %dma_wait3A_362 = tpu.memref_slice %arg3[%add3A_276, %dma_wait3A_361] : memref<1024x100000xf32, #tpu.memory_space<hbm>> -> memref<1x100000xf32, #tpu.memory_space<hbm>>
    %dma_wait3A_363 = tpu.memref_squeeze %dma_wait3A_362 : memref<1x100000xf32, #tpu.memory_space<hbm>> -> memref<100000xf32, #tpu.memory_space<hbm>>
    %dma_wait3A_364 = arith.constant 0 : i32
    %dma_wait3A_365 = tpu.memref_slice %arg3[%add3A_276, %dma_wait3A_364] : memref<1024x100000xf32, #tpu.memory_space<hbm>> -> memref<1x100000xf32, #tpu.memory_space<hbm>>
    %dma_wait3A_366 = tpu.memref_squeeze %dma_wait3A_365 : memref<1x100000xf32, #tpu.memory_space<hbm>> -> memref<100000xf32, #tpu.memory_space<hbm>>
    tpu.wait_dma2 semaphore(%arg5 : memref<!tpu.dma_semaphore, #tpu.memory_space<semaphore_mem>>) src(%arg4 : memref<100000xf32, #tpu.memory_space<vmem>>) dst(%dma_wait3A_366 : memref<100000xf32, #tpu.memory_space<hbm>>)
    %dma_wait3A_367 = arith.constant 0 : i32
    %dma_wait3A_368 = tpu.memref_slice %arg3[%add3A_280, %dma_wait3A_367] : memref<1024x100000xf32, #tpu.memory_space<hbm>> -> memref<1x100000xf32, #tpu.memory_space<hbm>>
    %dma_wait3A_369 = tpu.memref_squeeze %dma_wait3A_368 : memref<1x100000xf32, #tpu.memory_space<hbm>> -> memref<100000xf32, #tpu.memory_space<hbm>>
    %dma_wait3A_370 = arith.constant 0 : i32
    %dma_wait3A_371 = tpu.memref_slice %arg3[%add3A_280, %dma_wait3A_370] : memref<1024x100000xf32, #tpu.memory_space<hbm>> -> memref<1x100000xf32, #tpu.memory_space<hbm>>
    %dma_wait3A_372 = tpu.memref_squeeze %dma_wait3A_371 : memref<1x100000xf32, #tpu.memory_space<hbm>> -> memref<100000xf32, #tpu.memory_space<hbm>>
    tpu.wait_dma2 semaphore(%arg5 : memref<!tpu.dma_semaphore, #tpu.memory_space<semaphore_mem>>) src(%arg4 : memref<100000xf32, #tpu.memory_space<vmem>>) dst(%dma_wait3A_372 : memref<100000xf32, #tpu.memory_space<hbm>>)
    %dma_wait3A_373 = arith.constant 0 : i32
    %dma_wait3A_374 = tpu.memref_slice %arg3[%add3A_284, %dma_wait3A_373] : memref<1024x100000xf32, #tpu.memory_space<hbm>> -> memref<1x100000xf32, #tpu.memory_space<hbm>>
    %dma_wait3A_375 = tpu.memref_squeeze %dma_wait3A_374 : memref<1x100000xf32, #tpu.memory_space<hbm>> -> memref<100000xf32, #tpu.memory_space<hbm>>
    %dma_wait3A_376 = arith.constant 0 : i32
    %dma_wait3A_377 = tpu.memref_slice %arg3[%add3A_284, %dma_wait3A_376] : memref<1024x100000xf32, #tpu.memory_space<hbm>> -> memref<1x100000xf32, #tpu.memory_space<hbm>>
    %dma_wait3A_378 = tpu.memref_squeeze %dma_wait3A_377 : memref<1x100000xf32, #tpu.memory_space<hbm>> -> memref<100000xf32, #tpu.memory_space<hbm>>
    tpu.wait_dma2 semaphore(%arg5 : memref<!tpu.dma_semaphore, #tpu.memory_space<semaphore_mem>>) src(%arg4 : memref<100000xf32, #tpu.memory_space<vmem>>) dst(%dma_wait3A_378 : memref<100000xf32, #tpu.memory_space<hbm>>)
    %dma_wait3A_379 = arith.constant 0 : i32
    %dma_wait3A_380 = tpu.memref_slice %arg3[%add3A_288, %dma_wait3A_379] : memref<1024x100000xf32, #tpu.memory_space<hbm>> -> memref<1x100000xf32, #tpu.memory_space<hbm>>
    %dma_wait3A_381 = tpu.memref_squeeze %dma_wait3A_380 : memref<1x100000xf32, #tpu.memory_space<hbm>> -> memref<100000xf32, #tpu.memory_space<hbm>>
    %dma_wait3A_382 = arith.constant 0 : i32
    %dma_wait3A_383 = tpu.memref_slice %arg3[%add3A_288, %dma_wait3A_382] : memref<1024x100000xf32, #tpu.memory_space<hbm>> -> memref<1x100000xf32, #tpu.memory_space<hbm>>
    %dma_wait3A_384 = tpu.memref_squeeze %dma_wait3A_383 : memref<1x100000xf32, #tpu.memory_space<hbm>> -> memref<100000xf32, #tpu.memory_space<hbm>>
    tpu.wait_dma2 semaphore(%arg5 : memref<!tpu.dma_semaphore, #tpu.memory_space<semaphore_mem>>) src(%arg4 : memref<100000xf32, #tpu.memory_space<vmem>>) dst(%dma_wait3A_384 : memref<100000xf32, #tpu.memory_space<hbm>>)
    %add3A_385 = arith.constant 24 : i32
    %add3A_386 = arith.addi %mul3A_2, %add3A_385 : i32
    %add3A_387 = arith.constant 0 : i32
    %add3A_388 = arith.addi %add3A_386, %add3A_387 : i32
    %add3A_389 = arith.constant 24 : i32
    %add3A_390 = arith.addi %mul3A_2, %add3A_389 : i32
    %add3A_391 = arith.constant 1 : i32
    %add3A_392 = arith.addi %add3A_390, %add3A_391 : i32
    %add3A_393 = arith.constant 24 : i32
    %add3A_394 = arith.addi %mul3A_2, %add3A_393 : i32
    %add3A_395 = arith.constant 2 : i32
    %add3A_396 = arith.addi %add3A_394, %add3A_395 : i32
    %add3A_397 = arith.constant 24 : i32
    %add3A_398 = arith.addi %mul3A_2, %add3A_397 : i32
    %add3A_399 = arith.constant 3 : i32
    %add3A_400 = arith.addi %add3A_398, %add3A_399 : i32
    %add3A_401 = arith.constant 24 : i32
    %add3A_402 = arith.addi %mul3A_2, %add3A_401 : i32
    %add3A_403 = arith.constant 4 : i32
    %add3A_404 = arith.addi %add3A_402, %add3A_403 : i32
    %add3A_405 = arith.constant 24 : i32
    %add3A_406 = arith.addi %mul3A_2, %add3A_405 : i32
    %add3A_407 = arith.constant 5 : i32
    %add3A_408 = arith.addi %add3A_406, %add3A_407 : i32
    %add3A_409 = arith.constant 24 : i32
    %add3A_410 = arith.addi %mul3A_2, %add3A_409 : i32
    %add3A_411 = arith.constant 6 : i32
    %add3A_412 = arith.addi %add3A_410, %add3A_411 : i32
    %add3A_413 = arith.constant 24 : i32
    %add3A_414 = arith.addi %mul3A_2, %add3A_413 : i32
    %add3A_415 = arith.constant 7 : i32
    %add3A_416 = arith.addi %add3A_414, %add3A_415 : i32
    %dma_start3A_417 = arith.constant 0 : i32
    %dma_start3A_418 = tpu.memref_slice %arg3[%add3A_388, %dma_start3A_417] : memref<1024x100000xf32, #tpu.memory_space<hbm>> -> memref<1x100000xf32, #tpu.memory_space<hbm>>
    %dma_start3A_419 = tpu.memref_squeeze %dma_start3A_418 : memref<1x100000xf32, #tpu.memory_space<hbm>> -> memref<100000xf32, #tpu.memory_space<hbm>>
    %dma_start3A_420 = arith.constant 0 : i32
    %dma_start3A_421 = tpu.memref_slice %arg3[%add3A_388, %dma_start3A_420] : memref<1024x100000xf32, #tpu.memory_space<hbm>> -> memref<1x100000xf32, #tpu.memory_space<hbm>>
    %dma_start3A_422 = tpu.memref_squeeze %dma_start3A_421 : memref<1x100000xf32, #tpu.memory_space<hbm>> -> memref<100000xf32, #tpu.memory_space<hbm>>
    tpu.enqueue_dma source(%arg4 : memref<100000xf32, #tpu.memory_space<vmem>>) target(%dma_start3A_422 : memref<100000xf32, #tpu.memory_space<hbm>>) target_semaphore(%arg5 : memref<!tpu.dma_semaphore, #tpu.memory_space<semaphore_mem>>)
    %dma_start3A_423 = arith.constant 0 : i32
    %dma_start3A_424 = tpu.memref_slice %arg3[%add3A_392, %dma_start3A_423] : memref<1024x100000xf32, #tpu.memory_space<hbm>> -> memref<1x100000xf32, #tpu.memory_space<hbm>>
    %dma_start3A_425 = tpu.memref_squeeze %dma_start3A_424 : memref<1x100000xf32, #tpu.memory_space<hbm>> -> memref<100000xf32, #tpu.memory_space<hbm>>
    %dma_start3A_426 = arith.constant 0 : i32
    %dma_start3A_427 = tpu.memref_slice %arg3[%add3A_392, %dma_start3A_426] : memref<1024x100000xf32, #tpu.memory_space<hbm>> -> memref<1x100000xf32, #tpu.memory_space<hbm>>
    %dma_start3A_428 = tpu.memref_squeeze %dma_start3A_427 : memref<1x100000xf32, #tpu.memory_space<hbm>> -> memref<100000xf32, #tpu.memory_space<hbm>>
    tpu.enqueue_dma source(%arg4 : memref<100000xf32, #tpu.memory_space<vmem>>) target(%dma_start3A_428 : memref<100000xf32, #tpu.memory_space<hbm>>) target_semaphore(%arg5 : memref<!tpu.dma_semaphore, #tpu.memory_space<semaphore_mem>>)
    %dma_start3A_429 = arith.constant 0 : i32
    %dma_start3A_430 = tpu.memref_slice %arg3[%add3A_396, %dma_start3A_429] : memref<1024x100000xf32, #tpu.memory_space<hbm>> -> memref<1x100000xf32, #tpu.memory_space<hbm>>
    %dma_start3A_431 = tpu.memref_squeeze %dma_start3A_430 : memref<1x100000xf32, #tpu.memory_space<hbm>> -> memref<100000xf32, #tpu.memory_space<hbm>>
    %dma_start3A_432 = arith.constant 0 : i32
    %dma_start3A_433 = tpu.memref_slice %arg3[%add3A_396, %dma_start3A_432] : memref<1024x100000xf32, #tpu.memory_space<hbm>> -> memref<1x100000xf32, #tpu.memory_space<hbm>>
    %dma_start3A_434 = tpu.memref_squeeze %dma_start3A_433 : memref<1x100000xf32, #tpu.memory_space<hbm>> -> memref<100000xf32, #tpu.memory_space<hbm>>
    tpu.enqueue_dma source(%arg4 : memref<100000xf32, #tpu.memory_space<vmem>>) target(%dma_start3A_434 : memref<100000xf32, #tpu.memory_space<hbm>>) target_semaphore(%arg5 : memref<!tpu.dma_semaphore, #tpu.memory_space<semaphore_mem>>)
    %dma_start3A_435 = arith.constant 0 : i32
    %dma_start3A_436 = tpu.memref_slice %arg3[%add3A_400, %dma_start3A_435] : memref<1024x100000xf32, #tpu.memory_space<hbm>> -> memref<1x100000xf32, #tpu.memory_space<hbm>>
    %dma_start3A_437 = tpu.memref_squeeze %dma_start3A_436 : memref<1x100000xf32, #tpu.memory_space<hbm>> -> memref<100000xf32, #tpu.memory_space<hbm>>
    %dma_start3A_438 = arith.constant 0 : i32
    %dma_start3A_439 = tpu.memref_slice %arg3[%add3A_400, %dma_start3A_438] : memref<1024x100000xf32, #tpu.memory_space<hbm>> -> memref<1x100000xf32, #tpu.memory_space<hbm>>
    %dma_start3A_440 = tpu.memref_squeeze %dma_start3A_439 : memref<1x100000xf32, #tpu.memory_space<hbm>> -> memref<100000xf32, #tpu.memory_space<hbm>>
    tpu.enqueue_dma source(%arg4 : memref<100000xf32, #tpu.memory_space<vmem>>) target(%dma_start3A_440 : memref<100000xf32, #tpu.memory_space<hbm>>) target_semaphore(%arg5 : memref<!tpu.dma_semaphore, #tpu.memory_space<semaphore_mem>>)
    %dma_start3A_441 = arith.constant 0 : i32
    %dma_start3A_442 = tpu.memref_slice %arg3[%add3A_404, %dma_start3A_441] : memref<1024x100000xf32, #tpu.memory_space<hbm>> -> memref<1x100000xf32, #tpu.memory_space<hbm>>
    %dma_start3A_443 = tpu.memref_squeeze %dma_start3A_442 : memref<1x100000xf32, #tpu.memory_space<hbm>> -> memref<100000xf32, #tpu.memory_space<hbm>>
    %dma_start3A_444 = arith.constant 0 : i32
    %dma_start3A_445 = tpu.memref_slice %arg3[%add3A_404, %dma_start3A_444] : memref<1024x100000xf32, #tpu.memory_space<hbm>> -> memref<1x100000xf32, #tpu.memory_space<hbm>>
    %dma_start3A_446 = tpu.memref_squeeze %dma_start3A_445 : memref<1x100000xf32, #tpu.memory_space<hbm>> -> memref<100000xf32, #tpu.memory_space<hbm>>
    tpu.enqueue_dma source(%arg4 : memref<100000xf32, #tpu.memory_space<vmem>>) target(%dma_start3A_446 : memref<100000xf32, #tpu.memory_space<hbm>>) target_semaphore(%arg5 : memref<!tpu.dma_semaphore, #tpu.memory_space<semaphore_mem>>)
    %dma_start3A_447 = arith.constant 0 : i32
    %dma_start3A_448 = tpu.memref_slice %arg3[%add3A_408, %dma_start3A_447] : memref<1024x100000xf32, #tpu.memory_space<hbm>> -> memref<1x100000xf32, #tpu.memory_space<hbm>>
    %dma_start3A_449 = tpu.memref_squeeze %dma_start3A_448 : memref<1x100000xf32, #tpu.memory_space<hbm>> -> memref<100000xf32, #tpu.memory_space<hbm>>
    %dma_start3A_450 = arith.constant 0 : i32
    %dma_start3A_451 = tpu.memref_slice %arg3[%add3A_408, %dma_start3A_450] : memref<1024x100000xf32, #tpu.memory_space<hbm>> -> memref<1x100000xf32, #tpu.memory_space<hbm>>
    %dma_start3A_452 = tpu.memref_squeeze %dma_start3A_451 : memref<1x100000xf32, #tpu.memory_space<hbm>> -> memref<100000xf32, #tpu.memory_space<hbm>>
    tpu.enqueue_dma source(%arg4 : memref<100000xf32, #tpu.memory_space<vmem>>) target(%dma_start3A_452 : memref<100000xf32, #tpu.memory_space<hbm>>) target_semaphore(%arg5 : memref<!tpu.dma_semaphore, #tpu.memory_space<semaphore_mem>>)
    %dma_start3A_453 = arith.constant 0 : i32
    %dma_start3A_454 = tpu.memref_slice %arg3[%add3A_412, %dma_start3A_453] : memref<1024x100000xf32, #tpu.memory_space<hbm>> -> memref<1x100000xf32, #tpu.memory_space<hbm>>
    %dma_start3A_455 = tpu.memref_squeeze %dma_start3A_454 : memref<1x100000xf32, #tpu.memory_space<hbm>> -> memref<100000xf32, #tpu.memory_space<hbm>>
    %dma_start3A_456 = arith.constant 0 : i32
    %dma_start3A_457 = tpu.memref_slice %arg3[%add3A_412, %dma_start3A_456] : memref<1024x100000xf32, #tpu.memory_space<hbm>> -> memref<1x100000xf32, #tpu.memory_space<hbm>>
    %dma_start3A_458 = tpu.memref_squeeze %dma_start3A_457 : memref<1x100000xf32, #tpu.memory_space<hbm>> -> memref<100000xf32, #tpu.memory_space<hbm>>
    tpu.enqueue_dma source(%arg4 : memref<100000xf32, #tpu.memory_space<vmem>>) target(%dma_start3A_458 : memref<100000xf32, #tpu.memory_space<hbm>>) target_semaphore(%arg5 : memref<!tpu.dma_semaphore, #tpu.memory_space<semaphore_mem>>)
    %dma_start3A_459 = arith.constant 0 : i32
    %dma_start3A_460 = tpu.memref_slice %arg3[%add3A_416, %dma_start3A_459] : memref<1024x100000xf32, #tpu.memory_space<hbm>> -> memref<1x100000xf32, #tpu.memory_space<hbm>>
    %dma_start3A_461 = tpu.memref_squeeze %dma_start3A_460 : memref<1x100000xf32, #tpu.memory_space<hbm>> -> memref<100000xf32, #tpu.memory_space<hbm>>
    %dma_start3A_462 = arith.constant 0 : i32
    %dma_start3A_463 = tpu.memref_slice %arg3[%add3A_416, %dma_start3A_462] : memref<1024x100000xf32, #tpu.memory_space<hbm>> -> memref<1x100000xf32, #tpu.memory_space<hbm>>
    %dma_start3A_464 = tpu.memref_squeeze %dma_start3A_463 : memref<1x100000xf32, #tpu.memory_space<hbm>> -> memref<100000xf32, #tpu.memory_space<hbm>>
    tpu.enqueue_dma source(%arg4 : memref<100000xf32, #tpu.memory_space<vmem>>) target(%dma_start3A_464 : memref<100000xf32, #tpu.memory_space<hbm>>) target_semaphore(%arg5 : memref<!tpu.dma_semaphore, #tpu.memory_space<semaphore_mem>>)
    %dma_wait3A_465 = arith.constant 0 : i32
    %dma_wait3A_466 = tpu.memref_slice %arg3[%add3A_388, %dma_wait3A_465] : memref<1024x100000xf32, #tpu.memory_space<hbm>> -> memref<1x100000xf32, #tpu.memory_space<hbm>>
    %dma_wait3A_467 = tpu.memref_squeeze %dma_wait3A_466 : memref<1x100000xf32, #tpu.memory_space<hbm>> -> memref<100000xf32, #tpu.memory_space<hbm>>
    %dma_wait3A_468 = arith.constant 0 : i32
    %dma_wait3A_469 = tpu.memref_slice %arg3[%add3A_388, %dma_wait3A_468] : memref<1024x100000xf32, #tpu.memory_space<hbm>> -> memref<1x100000xf32, #tpu.memory_space<hbm>>
    %dma_wait3A_470 = tpu.memref_squeeze %dma_wait3A_469 : memref<1x100000xf32, #tpu.memory_space<hbm>> -> memref<100000xf32, #tpu.memory_space<hbm>>
    tpu.wait_dma2 semaphore(%arg5 : memref<!tpu.dma_semaphore, #tpu.memory_space<semaphore_mem>>) src(%arg4 : memref<100000xf32, #tpu.memory_space<vmem>>) dst(%dma_wait3A_470 : memref<100000xf32, #tpu.memory_space<hbm>>)
    %dma_wait3A_471 = arith.constant 0 : i32
    %dma_wait3A_472 = tpu.memref_slice %arg3[%add3A_392, %dma_wait3A_471] : memref<1024x100000xf32, #tpu.memory_space<hbm>> -> memref<1x100000xf32, #tpu.memory_space<hbm>>
    %dma_wait3A_473 = tpu.memref_squeeze %dma_wait3A_472 : memref<1x100000xf32, #tpu.memory_space<hbm>> -> memref<100000xf32, #tpu.memory_space<hbm>>
    %dma_wait3A_474 = arith.constant 0 : i32
    %dma_wait3A_475 = tpu.memref_slice %arg3[%add3A_392, %dma_wait3A_474] : memref<1024x100000xf32, #tpu.memory_space<hbm>> -> memref<1x100000xf32, #tpu.memory_space<hbm>>
    %dma_wait3A_476 = tpu.memref_squeeze %dma_wait3A_475 : memref<1x100000xf32, #tpu.memory_space<hbm>> -> memref<100000xf32, #tpu.memory_space<hbm>>
    tpu.wait_dma2 semaphore(%arg5 : memref<!tpu.dma_semaphore, #tpu.memory_space<semaphore_mem>>) src(%arg4 : memref<100000xf32, #tpu.memory_space<vmem>>) dst(%dma_wait3A_476 : memref<100000xf32, #tpu.memory_space<hbm>>)
    %dma_wait3A_477 = arith.constant 0 : i32
    %dma_wait3A_478 = tpu.memref_slice %arg3[%add3A_396, %dma_wait3A_477] : memref<1024x100000xf32, #tpu.memory_space<hbm>> -> memref<1x100000xf32, #tpu.memory_space<hbm>>
    %dma_wait3A_479 = tpu.memref_squeeze %dma_wait3A_478 : memref<1x100000xf32, #tpu.memory_space<hbm>> -> memref<100000xf32, #tpu.memory_space<hbm>>
    %dma_wait3A_480 = arith.constant 0 : i32
    %dma_wait3A_481 = tpu.memref_slice %arg3[%add3A_396, %dma_wait3A_480] : memref<1024x100000xf32, #tpu.memory_space<hbm>> -> memref<1x100000xf32, #tpu.memory_space<hbm>>
    %dma_wait3A_482 = tpu.memref_squeeze %dma_wait3A_481 : memref<1x100000xf32, #tpu.memory_space<hbm>> -> memref<100000xf32, #tpu.memory_space<hbm>>
    tpu.wait_dma2 semaphore(%arg5 : memref<!tpu.dma_semaphore, #tpu.memory_space<semaphore_mem>>) src(%arg4 : memref<100000xf32, #tpu.memory_space<vmem>>) dst(%dma_wait3A_482 : memref<100000xf32, #tpu.memory_space<hbm>>)
    %dma_wait3A_483 = arith.constant 0 : i32
    %dma_wait3A_484 = tpu.memref_slice %arg3[%add3A_400, %dma_wait3A_483] : memref<1024x100000xf32, #tpu.memory_space<hbm>> -> memref<1x100000xf32, #tpu.memory_space<hbm>>
    %dma_wait3A_485 = tpu.memref_squeeze %dma_wait3A_484 : memref<1x100000xf32, #tpu.memory_space<hbm>> -> memref<100000xf32, #tpu.memory_space<hbm>>
    %dma_wait3A_486 = arith.constant 0 : i32
    %dma_wait3A_487 = tpu.memref_slice %arg3[%add3A_400, %dma_wait3A_486] : memref<1024x100000xf32, #tpu.memory_space<hbm>> -> memref<1x100000xf32, #tpu.memory_space<hbm>>
    %dma_wait3A_488 = tpu.memref_squeeze %dma_wait3A_487 : memref<1x100000xf32, #tpu.memory_space<hbm>> -> memref<100000xf32, #tpu.memory_space<hbm>>
    tpu.wait_dma2 semaphore(%arg5 : memref<!tpu.dma_semaphore, #tpu.memory_space<semaphore_mem>>) src(%arg4 : memref<100000xf32, #tpu.memory_space<vmem>>) dst(%dma_wait3A_488 : memref<100000xf32, #tpu.memory_space<hbm>>)
    %dma_wait3A_489 = arith.constant 0 : i32
    %dma_wait3A_490 = tpu.memref_slice %arg3[%add3A_404, %dma_wait3A_489] : memref<1024x100000xf32, #tpu.memory_space<hbm>> -> memref<1x100000xf32, #tpu.memory_space<hbm>>
    %dma_wait3A_491 = tpu.memref_squeeze %dma_wait3A_490 : memref<1x100000xf32, #tpu.memory_space<hbm>> -> memref<100000xf32, #tpu.memory_space<hbm>>
    %dma_wait3A_492 = arith.constant 0 : i32
    %dma_wait3A_493 = tpu.memref_slice %arg3[%add3A_404, %dma_wait3A_492] : memref<1024x100000xf32, #tpu.memory_space<hbm>> -> memref<1x100000xf32, #tpu.memory_space<hbm>>
    %dma_wait3A_494 = tpu.memref_squeeze %dma_wait3A_493 : memref<1x100000xf32, #tpu.memory_space<hbm>> -> memref<100000xf32, #tpu.memory_space<hbm>>
    tpu.wait_dma2 semaphore(%arg5 : memref<!tpu.dma_semaphore, #tpu.memory_space<semaphore_mem>>) src(%arg4 : memref<100000xf32, #tpu.memory_space<vmem>>) dst(%dma_wait3A_494 : memref<100000xf32, #tpu.memory_space<hbm>>)
    %dma_wait3A_495 = arith.constant 0 : i32
    %dma_wait3A_496 = tpu.memref_slice %arg3[%add3A_408, %dma_wait3A_495] : memref<1024x100000xf32, #tpu.memory_space<hbm>> -> memref<1x100000xf32, #tpu.memory_space<hbm>>
    %dma_wait3A_497 = tpu.memref_squeeze %dma_wait3A_496 : memref<1x100000xf32, #tpu.memory_space<hbm>> -> memref<100000xf32, #tpu.memory_space<hbm>>
    %dma_wait3A_498 = arith.constant 0 : i32
    %dma_wait3A_499 = tpu.memref_slice %arg3[%add3A_408, %dma_wait3A_498] : memref<1024x100000xf32, #tpu.memory_space<hbm>> -> memref<1x100000xf32, #tpu.memory_space<hbm>>
    %dma_wait3A_500 = tpu.memref_squeeze %dma_wait3A_499 : memref<1x100000xf32, #tpu.memory_space<hbm>> -> memref<100000xf32, #tpu.memory_space<hbm>>
    tpu.wait_dma2 semaphore(%arg5 : memref<!tpu.dma_semaphore, #tpu.memory_space<semaphore_mem>>) src(%arg4 : memref<100000xf32, #tpu.memory_space<vmem>>) dst(%dma_wait3A_500 : memref<100000xf32, #tpu.memory_space<hbm>>)
    %dma_wait3A_501 = arith.constant 0 : i32
    %dma_wait3A_502 = tpu.memref_slice %arg3[%add3A_412, %dma_wait3A_501] : memref<1024x100000xf32, #tpu.memory_space<hbm>> -> memref<1x100000xf32, #tpu.memory_space<hbm>>
    %dma_wait3A_503 = tpu.memref_squeeze %dma_wait3A_502 : memref<1x100000xf32, #tpu.memory_space<hbm>> -> memref<100000xf32, #tpu.memory_space<hbm>>
    %dma_wait3A_504 = arith.constant 0 : i32
    %dma_wait3A_505 = tpu.memref_slice %arg3[%add3A_412, %dma_wait3A_504] : memref<1024x100000xf32, #tpu.memory_space<hbm>> -> memref<1x100000xf32, #tpu.memory_space<hbm>>
    %dma_wait3A_506 = tpu.memref_squeeze %dma_wait3A_505 : memref<1x100000xf32, #tpu.memory_space<hbm>> -> memref<100000xf32, #tpu.memory_space<hbm>>
    tpu.wait_dma2 semaphore(%arg5 : memref<!tpu.dma_semaphore, #tpu.memory_space<semaphore_mem>>) src(%arg4 : memref<100000xf32, #tpu.memory_space<vmem>>) dst(%dma_wait3A_506 : memref<100000xf32, #tpu.memory_space<hbm>>)
    %dma_wait3A_507 = arith.constant 0 : i32
    %dma_wait3A_508 = tpu.memref_slice %arg3[%add3A_416, %dma_wait3A_507] : memref<1024x100000xf32, #tpu.memory_space<hbm>> -> memref<1x100000xf32, #tpu.memory_space<hbm>>
    %dma_wait3A_509 = tpu.memref_squeeze %dma_wait3A_508 : memref<1x100000xf32, #tpu.memory_space<hbm>> -> memref<100000xf32, #tpu.memory_space<hbm>>
    %dma_wait3A_510 = arith.constant 0 : i32
    %dma_wait3A_511 = tpu.memref_slice %arg3[%add3A_416, %dma_wait3A_510] : memref<1024x100000xf32, #tpu.memory_space<hbm>> -> memref<1x100000xf32, #tpu.memory_space<hbm>>
    %dma_wait3A_512 = tpu.memref_squeeze %dma_wait3A_511 : memref<1x100000xf32, #tpu.memory_space<hbm>> -> memref<100000xf32, #tpu.memory_space<hbm>>
    tpu.wait_dma2 semaphore(%arg5 : memref<!tpu.dma_semaphore, #tpu.memory_space<semaphore_mem>>) src(%arg4 : memref<100000xf32, #tpu.memory_space<vmem>>) dst(%dma_wait3A_512 : memref<100000xf32, #tpu.memory_space<hbm>>)
    return
  }
}

module attributes {stable_mosaic.version = 14 : i64} {
  func.func @_lambda_(%arg0: i32, %arg1: i32, %arg2: memref<256x2048xf32, #tpu.memory_space<vmem>>, %arg3: memref<256x1xi32, #tpu.memory_space<vmem>>, %arg4: memref<256x1xf32, #tpu.memory_space<vmem>>, %arg5: memref<256x1xi32, #tpu.memory_space<vmem>>) attributes {dimension_semantics = [#tpu.dimension_semantics<parallel>, #tpu.dimension_semantics<arbitrary>], iteration_bounds = array<i64: 4, 49>, scalar_prefetch = 0 : i64, scratch_operands = 2 : i64, tpu.core_type = #tpu.core_type<tc>, window_params = [{transform_indices = @transform_0, window_bounds = array<i64: 256, 2048>}, {transform_indices = @transform_1, window_bounds = array<i64: 256, 1>}]} {
    %eq3A = arith.constant 0 : i32
    %eq3A_0 = arith.cmpi eq, %arg1, %eq3A : i32
    %convert_element_type3A = arith.extui %eq3A_0 : i1 to i32
    %cond3A = arith.constant 0 : i32
    %cond3A_1 = arith.cmpi ne, %convert_element_type3A, %cond3A : i32
    scf.if %cond3A_1 {
      %broadcast_in_dim3A_297 = arith.constant 0xFF800000 : f32
      %broadcast_in_dim3A_298 = vector.broadcast %broadcast_in_dim3A_297 : f32 to vector<256x1xf32>
      %swap3A_299 = arith.constant 0 : index
      %swap3A_300 = arith.constant 0 : index
      %swap3A_301 = vector.load %arg4[%swap3A_299, %swap3A_300] : memref<256x1xf32, #tpu.memory_space<vmem>>, vector<256x1xf32>
      tpu.vector_store %arg4[%swap3A_299, %swap3A_300], %broadcast_in_dim3A_298 {strides = array<i32>} : memref<256x1xf32, #tpu.memory_space<vmem>>, vector<256x1xf32>,
      %broadcast_in_dim3A_302 = arith.constant 0 : i32
      %broadcast_in_dim3A_303 = vector.broadcast %broadcast_in_dim3A_302 : i32 to vector<256x1xi32>
      %swap3A_304 = arith.constant 0 : index
      %swap3A_305 = arith.constant 0 : index
      %swap3A_306 = vector.load %arg5[%swap3A_304, %swap3A_305] : memref<256x1xi32, #tpu.memory_space<vmem>>, vector<256x1xi32>
      tpu.vector_store %arg5[%swap3A_304, %swap3A_305], %broadcast_in_dim3A_303 {strides = array<i32>} : memref<256x1xi32, #tpu.memory_space<vmem>>, vector<256x1xi32>,
    } else {
    }
    %iota3A = tpu.iota {dimensions = array<i32: 0>} : vector<256x2048xi32>
    %mul3A = arith.constant 256 : i32
    %mul3A_2 = arith.muli %arg0, %mul3A : i32
    %add3A = vector.broadcast %mul3A_2 : i32 to vector<256x2048xi32>
    %add3A_3 = arith.addi %iota3A, %add3A : vector<256x2048xi32>
    %iota3A_4 = tpu.iota {dimensions = array<i32: 1>} : vector<256x2048xi32>
    %mul3A_5 = arith.constant 2048 : i32
    %mul3A_6 = arith.muli %arg1, %mul3A_5 : i32
    %add3A_7 = vector.broadcast %mul3A_6 : i32 to vector<256x2048xi32>
    %add3A_8 = arith.addi %iota3A_4, %add3A_7 : vector<256x2048xi32>
    %mul3A_9 = arith.constant 100000 : i32
    %mul3A_10 = vector.broadcast %mul3A_9 : i32 to vector<256x2048xi32>
    %mul3A_11 = arith.muli %add3A_3, %mul3A_10 : vector<256x2048xi32>
    %add3A_12 = arith.addi %mul3A_11, %add3A_8 : vector<256x2048xi32>
    %broadcast_in_dim3A = arith.constant 0 : i32
    %broadcast_in_dim3A_13 = vector.broadcast %broadcast_in_dim3A : i32 to vector<256x2048xi32>
    %add3A_14 = arith.constant 42 : i32
    %add3A_15 = vector.broadcast %add3A_14 : i32 to vector<256x2048xi32>
    %add3A_16 = arith.addi %add3A_12, %add3A_15 : vector<256x2048xi32>
    %add3A_17 = arith.addi %broadcast_in_dim3A_13, %add3A_16 : vector<256x2048xi32>
    %shift_left3A = arith.constant 13 : i32
    %shift_left3A_18 = vector.broadcast %shift_left3A : i32 to vector<256x2048xi32>
    %shift_left3A_19 = arith.shli %add3A_16, %shift_left3A_18 : vector<256x2048xi32>
    %shift_right_logical3A = arith.constant 19 : i32
    %shift_right_logical3A_20 = vector.broadcast %shift_right_logical3A : i32 to vector<256x2048xi32>
    %shift_right_logical3A_21 = arith.shrui %add3A_16, %shift_right_logical3A_20 : vector<256x2048xi32>
    %or3A = arith.ori %shift_left3A_19, %shift_right_logical3A_21 : vector<256x2048xi32>
    %xor3A = arith.xori %add3A_17, %or3A : vector<256x2048xi32>
    %add3A_22 = arith.addi %add3A_17, %xor3A : vector<256x2048xi32>
    %shift_left3A_23 = arith.constant 15 : i32
    %shift_left3A_24 = vector.broadcast %shift_left3A_23 : i32 to vector<256x2048xi32>
    %shift_left3A_25 = arith.shli %xor3A, %shift_left3A_24 : vector<256x2048xi32>
    %shift_right_logical3A_26 = arith.constant 17 : i32
    %shift_right_logical3A_27 = vector.broadcast %shift_right_logical3A_26 : i32 to vector<256x2048xi32>
    %shift_right_logical3A_28 = arith.shrui %xor3A, %shift_right_logical3A_27 : vector<256x2048xi32>
    %or3A_29 = arith.ori %shift_left3A_25, %shift_right_logical3A_28 : vector<256x2048xi32>
    %xor3A_30 = arith.xori %add3A_22, %or3A_29 : vector<256x2048xi32>
    %add3A_31 = arith.addi %add3A_22, %xor3A_30 : vector<256x2048xi32>
    %shift_left3A_32 = arith.constant 26 : i32
    %shift_left3A_33 = vector.broadcast %shift_left3A_32 : i32 to vector<256x2048xi32>
    %shift_left3A_34 = arith.shli %xor3A_30, %shift_left3A_33 : vector<256x2048xi32>
    %shift_right_logical3A_35 = arith.constant 6 : i32
    %shift_right_logical3A_36 = vector.broadcast %shift_right_logical3A_35 : i32 to vector<256x2048xi32>
    %shift_right_logical3A_37 = arith.shrui %xor3A_30, %shift_right_logical3A_36 : vector<256x2048xi32>
    %or3A_38 = arith.ori %shift_left3A_34, %shift_right_logical3A_37 : vector<256x2048xi32>
    %xor3A_39 = arith.xori %add3A_31, %or3A_38 : vector<256x2048xi32>
    %add3A_40 = arith.addi %add3A_31, %xor3A_39 : vector<256x2048xi32>
    %shift_left3A_41 = arith.constant 6 : i32
    %shift_left3A_42 = vector.broadcast %shift_left3A_41 : i32 to vector<256x2048xi32>
    %shift_left3A_43 = arith.shli %xor3A_39, %shift_left3A_42 : vector<256x2048xi32>
    %shift_right_logical3A_44 = arith.constant 26 : i32
    %shift_right_logical3A_45 = vector.broadcast %shift_right_logical3A_44 : i32 to vector<256x2048xi32>
    %shift_right_logical3A_46 = arith.shrui %xor3A_39, %shift_right_logical3A_45 : vector<256x2048xi32>
    %or3A_47 = arith.ori %shift_left3A_43, %shift_right_logical3A_46 : vector<256x2048xi32>
    %xor3A_48 = arith.xori %add3A_40, %or3A_47 : vector<256x2048xi32>
    %add3A_49 = arith.constant 42 : i32
    %add3A_50 = vector.broadcast %add3A_49 : i32 to vector<256x2048xi32>
    %add3A_51 = arith.addi %add3A_40, %add3A_50 : vector<256x2048xi32>
    %add3A_52 = arith.constant 466689008 : i32
    %add3A_53 = vector.broadcast %add3A_52 : i32 to vector<256x2048xi32>
    %add3A_54 = arith.addi %xor3A_48, %add3A_53 : vector<256x2048xi32>
    %add3A_55 = arith.constant 1 : i32
    %add3A_56 = vector.broadcast %add3A_55 : i32 to vector<256x2048xi32>
    %add3A_57 = arith.addi %add3A_54, %add3A_56 : vector<256x2048xi32>
    %add3A_58 = arith.addi %add3A_51, %add3A_57 : vector<256x2048xi32>
    %shift_left3A_59 = arith.constant 17 : i32
    %shift_left3A_60 = vector.broadcast %shift_left3A_59 : i32 to vector<256x2048xi32>
    %shift_left3A_61 = arith.shli %add3A_57, %shift_left3A_60 : vector<256x2048xi32>
    %shift_right_logical3A_62 = arith.constant 15 : i32
    %shift_right_logical3A_63 = vector.broadcast %shift_right_logical3A_62 : i32 to vector<256x2048xi32>
    %shift_right_logical3A_64 = arith.shrui %add3A_57, %shift_right_logical3A_63 : vector<256x2048xi32>
    %or3A_65 = arith.ori %shift_left3A_61, %shift_right_logical3A_64 : vector<256x2048xi32>
    %xor3A_66 = arith.xori %add3A_58, %or3A_65 : vector<256x2048xi32>
    %add3A_67 = arith.addi %add3A_58, %xor3A_66 : vector<256x2048xi32>
    %shift_left3A_68 = arith.constant 29 : i32
    %shift_left3A_69 = vector.broadcast %shift_left3A_68 : i32 to vector<256x2048xi32>
    %shift_left3A_70 = arith.shli %xor3A_66, %shift_left3A_69 : vector<256x2048xi32>
    %shift_right_logical3A_71 = arith.constant 3 : i32
    %shift_right_logical3A_72 = vector.broadcast %shift_right_logical3A_71 : i32 to vector<256x2048xi32>
    %shift_right_logical3A_73 = arith.shrui %xor3A_66, %shift_right_logical3A_72 : vector<256x2048xi32>
    %or3A_74 = arith.ori %shift_left3A_70, %shift_right_logical3A_73 : vector<256x2048xi32>
    %xor3A_75 = arith.xori %add3A_67, %or3A_74 : vector<256x2048xi32>
    %add3A_76 = arith.addi %add3A_67, %xor3A_75 : vector<256x2048xi32>
    %shift_left3A_77 = arith.constant 16 : i32
    %shift_left3A_78 = vector.broadcast %shift_left3A_77 : i32 to vector<256x2048xi32>
    %shift_left3A_79 = arith.shli %xor3A_75, %shift_left3A_78 : vector<256x2048xi32>
    %shift_right_logical3A_80 = arith.constant 16 : i32
    %shift_right_logical3A_81 = vector.broadcast %shift_right_logical3A_80 : i32 to vector<256x2048xi32>
    %shift_right_logical3A_82 = arith.shrui %xor3A_75, %shift_right_logical3A_81 : vector<256x2048xi32>
    %or3A_83 = arith.ori %shift_left3A_79, %shift_right_logical3A_82 : vector<256x2048xi32>
    %xor3A_84 = arith.xori %add3A_76, %or3A_83 : vector<256x2048xi32>
    %add3A_85 = arith.addi %add3A_76, %xor3A_84 : vector<256x2048xi32>
    %shift_left3A_86 = arith.constant 24 : i32
    %shift_left3A_87 = vector.broadcast %shift_left3A_86 : i32 to vector<256x2048xi32>
    %shift_left3A_88 = arith.shli %xor3A_84, %shift_left3A_87 : vector<256x2048xi32>
    %shift_right_logical3A_89 = arith.constant 8 : i32
    %shift_right_logical3A_90 = vector.broadcast %shift_right_logical3A_89 : i32 to vector<256x2048xi32>
    %shift_right_logical3A_91 = arith.shrui %xor3A_84, %shift_right_logical3A_90 : vector<256x2048xi32>
    %or3A_92 = arith.ori %shift_left3A_88, %shift_right_logical3A_91 : vector<256x2048xi32>
    %xor3A_93 = arith.xori %add3A_85, %or3A_92 : vector<256x2048xi32>
    %add3A_94 = arith.constant 466689008 : i32
    %add3A_95 = vector.broadcast %add3A_94 : i32 to vector<256x2048xi32>
    %add3A_96 = arith.addi %add3A_85, %add3A_95 : vector<256x2048xi32>
    %add3A_97 = arith.constant 0 : i32
    %add3A_98 = vector.broadcast %add3A_97 : i32 to vector<256x2048xi32>
    %add3A_99 = arith.addi %xor3A_93, %add3A_98 : vector<256x2048xi32>
    %add3A_100 = arith.constant 2 : i32
    %add3A_101 = vector.broadcast %add3A_100 : i32 to vector<256x2048xi32>
    %add3A_102 = arith.addi %add3A_99, %add3A_101 : vector<256x2048xi32>
    %add3A_103 = arith.addi %add3A_96, %add3A_102 : vector<256x2048xi32>
    %shift_left3A_104 = arith.constant 13 : i32
    %shift_left3A_105 = vector.broadcast %shift_left3A_104 : i32 to vector<256x2048xi32>
    %shift_left3A_106 = arith.shli %add3A_102, %shift_left3A_105 : vector<256x2048xi32>
    %shift_right_logical3A_107 = arith.constant 19 : i32
    %shift_right_logical3A_108 = vector.broadcast %shift_right_logical3A_107 : i32 to vector<256x2048xi32>
    %shift_right_logical3A_109 = arith.shrui %add3A_102, %shift_right_logical3A_108 : vector<256x2048xi32>
    %or3A_110 = arith.ori %shift_left3A_106, %shift_right_logical3A_109 : vector<256x2048xi32>
    %xor3A_111 = arith.xori %add3A_103, %or3A_110 : vector<256x2048xi32>
    %add3A_112 = arith.addi %add3A_103, %xor3A_111 : vector<256x2048xi32>
    %shift_left3A_113 = arith.constant 15 : i32
    %shift_left3A_114 = vector.broadcast %shift_left3A_113 : i32 to vector<256x2048xi32>
    %shift_left3A_115 = arith.shli %xor3A_111, %shift_left3A_114 : vector<256x2048xi32>
    %shift_right_logical3A_116 = arith.constant 17 : i32
    %shift_right_logical3A_117 = vector.broadcast %shift_right_logical3A_116 : i32 to vector<256x2048xi32>
    %shift_right_logical3A_118 = arith.shrui %xor3A_111, %shift_right_logical3A_117 : vector<256x2048xi32>
    %or3A_119 = arith.ori %shift_left3A_115, %shift_right_logical3A_118 : vector<256x2048xi32>
    %xor3A_120 = arith.xori %add3A_112, %or3A_119 : vector<256x2048xi32>
    %add3A_121 = arith.addi %add3A_112, %xor3A_120 : vector<256x2048xi32>
    %shift_left3A_122 = arith.constant 26 : i32
    %shift_left3A_123 = vector.broadcast %shift_left3A_122 : i32 to vector<256x2048xi32>
    %shift_left3A_124 = arith.shli %xor3A_120, %shift_left3A_123 : vector<256x2048xi32>
    %shift_right_logical3A_125 = arith.constant 6 : i32
    %shift_right_logical3A_126 = vector.broadcast %shift_right_logical3A_125 : i32 to vector<256x2048xi32>
    %shift_right_logical3A_127 = arith.shrui %xor3A_120, %shift_right_logical3A_126 : vector<256x2048xi32>
    %or3A_128 = arith.ori %shift_left3A_124, %shift_right_logical3A_127 : vector<256x2048xi32>
    %xor3A_129 = arith.xori %add3A_121, %or3A_128 : vector<256x2048xi32>
    %add3A_130 = arith.addi %add3A_121, %xor3A_129 : vector<256x2048xi32>
    %shift_left3A_131 = arith.constant 6 : i32
    %shift_left3A_132 = vector.broadcast %shift_left3A_131 : i32 to vector<256x2048xi32>
    %shift_left3A_133 = arith.shli %xor3A_129, %shift_left3A_132 : vector<256x2048xi32>
    %shift_right_logical3A_134 = arith.constant 26 : i32
    %shift_right_logical3A_135 = vector.broadcast %shift_right_logical3A_134 : i32 to vector<256x2048xi32>
    %shift_right_logical3A_136 = arith.shrui %xor3A_129, %shift_right_logical3A_135 : vector<256x2048xi32>
    %or3A_137 = arith.ori %shift_left3A_133, %shift_right_logical3A_136 : vector<256x2048xi32>
    %xor3A_138 = arith.xori %add3A_130, %or3A_137 : vector<256x2048xi32>
    %add3A_139 = arith.constant 0 : i32
    %add3A_140 = vector.broadcast %add3A_139 : i32 to vector<256x2048xi32>
    %add3A_141 = arith.addi %add3A_130, %add3A_140 : vector<256x2048xi32>
    %add3A_142 = arith.constant 42 : i32
    %add3A_143 = vector.broadcast %add3A_142 : i32 to vector<256x2048xi32>
    %add3A_144 = arith.addi %xor3A_138, %add3A_143 : vector<256x2048xi32>
    %add3A_145 = arith.constant 3 : i32
    %add3A_146 = vector.broadcast %add3A_145 : i32 to vector<256x2048xi32>
    %add3A_147 = arith.addi %add3A_144, %add3A_146 : vector<256x2048xi32>
    %add3A_148 = arith.addi %add3A_141, %add3A_147 : vector<256x2048xi32>
    %shift_left3A_149 = arith.constant 17 : i32
    %shift_left3A_150 = vector.broadcast %shift_left3A_149 : i32 to vector<256x2048xi32>
    %shift_left3A_151 = arith.shli %add3A_147, %shift_left3A_150 : vector<256x2048xi32>
    %shift_right_logical3A_152 = arith.constant 15 : i32
    %shift_right_logical3A_153 = vector.broadcast %shift_right_logical3A_152 : i32 to vector<256x2048xi32>
    %shift_right_logical3A_154 = arith.shrui %add3A_147, %shift_right_logical3A_153 : vector<256x2048xi32>
    %or3A_155 = arith.ori %shift_left3A_151, %shift_right_logical3A_154 : vector<256x2048xi32>
    %xor3A_156 = arith.xori %add3A_148, %or3A_155 : vector<256x2048xi32>
    %add3A_157 = arith.addi %add3A_148, %xor3A_156 : vector<256x2048xi32>
    %shift_left3A_158 = arith.constant 29 : i32
    %shift_left3A_159 = vector.broadcast %shift_left3A_158 : i32 to vector<256x2048xi32>
    %shift_left3A_160 = arith.shli %xor3A_156, %shift_left3A_159 : vector<256x2048xi32>
    %shift_right_logical3A_161 = arith.constant 3 : i32
    %shift_right_logical3A_162 = vector.broadcast %shift_right_logical3A_161 : i32 to vector<256x2048xi32>
    %shift_right_logical3A_163 = arith.shrui %xor3A_156, %shift_right_logical3A_162 : vector<256x2048xi32>
    %or3A_164 = arith.ori %shift_left3A_160, %shift_right_logical3A_163 : vector<256x2048xi32>
    %xor3A_165 = arith.xori %add3A_157, %or3A_164 : vector<256x2048xi32>
    %add3A_166 = arith.addi %add3A_157, %xor3A_165 : vector<256x2048xi32>
    %shift_left3A_167 = arith.constant 16 : i32
    %shift_left3A_168 = vector.broadcast %shift_left3A_167 : i32 to vector<256x2048xi32>
    %shift_left3A_169 = arith.shli %xor3A_165, %shift_left3A_168 : vector<256x2048xi32>
    %shift_right_logical3A_170 = arith.constant 16 : i32
    %shift_right_logical3A_171 = vector.broadcast %shift_right_logical3A_170 : i32 to vector<256x2048xi32>
    %shift_right_logical3A_172 = arith.shrui %xor3A_165, %shift_right_logical3A_171 : vector<256x2048xi32>
    %or3A_173 = arith.ori %shift_left3A_169, %shift_right_logical3A_172 : vector<256x2048xi32>
    %xor3A_174 = arith.xori %add3A_166, %or3A_173 : vector<256x2048xi32>
    %add3A_175 = arith.addi %add3A_166, %xor3A_174 : vector<256x2048xi32>
    %shift_left3A_176 = arith.constant 24 : i32
    %shift_left3A_177 = vector.broadcast %shift_left3A_176 : i32 to vector<256x2048xi32>
    %shift_left3A_178 = arith.shli %xor3A_174, %shift_left3A_177 : vector<256x2048xi32>
    %shift_right_logical3A_179 = arith.constant 8 : i32
    %shift_right_logical3A_180 = vector.broadcast %shift_right_logical3A_179 : i32 to vector<256x2048xi32>
    %shift_right_logical3A_181 = arith.shrui %xor3A_174, %shift_right_logical3A_180 : vector<256x2048xi32>
    %or3A_182 = arith.ori %shift_left3A_178, %shift_right_logical3A_181 : vector<256x2048xi32>
    %xor3A_183 = arith.xori %add3A_175, %or3A_182 : vector<256x2048xi32>
    %add3A_184 = arith.constant 42 : i32
    %add3A_185 = vector.broadcast %add3A_184 : i32 to vector<256x2048xi32>
    %add3A_186 = arith.addi %add3A_175, %add3A_185 : vector<256x2048xi32>
    %add3A_187 = arith.constant 466689008 : i32
    %add3A_188 = vector.broadcast %add3A_187 : i32 to vector<256x2048xi32>
    %add3A_189 = arith.addi %xor3A_183, %add3A_188 : vector<256x2048xi32>
    %add3A_190 = arith.constant 4 : i32
    %add3A_191 = vector.broadcast %add3A_190 : i32 to vector<256x2048xi32>
    %add3A_192 = arith.addi %add3A_189, %add3A_191 : vector<256x2048xi32>
    %add3A_193 = arith.addi %add3A_186, %add3A_192 : vector<256x2048xi32>
    %shift_left3A_194 = arith.constant 13 : i32
    %shift_left3A_195 = vector.broadcast %shift_left3A_194 : i32 to vector<256x2048xi32>
    %shift_left3A_196 = arith.shli %add3A_192, %shift_left3A_195 : vector<256x2048xi32>
    %shift_right_logical3A_197 = arith.constant 19 : i32
    %shift_right_logical3A_198 = vector.broadcast %shift_right_logical3A_197 : i32 to vector<256x2048xi32>
    %shift_right_logical3A_199 = arith.shrui %add3A_192, %shift_right_logical3A_198 : vector<256x2048xi32>
    %or3A_200 = arith.ori %shift_left3A_196, %shift_right_logical3A_199 : vector<256x2048xi32>
    %xor3A_201 = arith.xori %add3A_193, %or3A_200 : vector<256x2048xi32>
    %add3A_202 = arith.addi %add3A_193, %xor3A_201 : vector<256x2048xi32>
    %shift_left3A_203 = arith.constant 15 : i32
    %shift_left3A_204 = vector.broadcast %shift_left3A_203 : i32 to vector<256x2048xi32>
    %shift_left3A_205 = arith.shli %xor3A_201, %shift_left3A_204 : vector<256x2048xi32>
    %shift_right_logical3A_206 = arith.constant 17 : i32
    %shift_right_logical3A_207 = vector.broadcast %shift_right_logical3A_206 : i32 to vector<256x2048xi32>
    %shift_right_logical3A_208 = arith.shrui %xor3A_201, %shift_right_logical3A_207 : vector<256x2048xi32>
    %or3A_209 = arith.ori %shift_left3A_205, %shift_right_logical3A_208 : vector<256x2048xi32>
    %xor3A_210 = arith.xori %add3A_202, %or3A_209 : vector<256x2048xi32>
    %add3A_211 = arith.addi %add3A_202, %xor3A_210 : vector<256x2048xi32>
    %shift_left3A_212 = arith.constant 26 : i32
    %shift_left3A_213 = vector.broadcast %shift_left3A_212 : i32 to vector<256x2048xi32>
    %shift_left3A_214 = arith.shli %xor3A_210, %shift_left3A_213 : vector<256x2048xi32>
    %shift_right_logical3A_215 = arith.constant 6 : i32
    %shift_right_logical3A_216 = vector.broadcast %shift_right_logical3A_215 : i32 to vector<256x2048xi32>
    %shift_right_logical3A_217 = arith.shrui %xor3A_210, %shift_right_logical3A_216 : vector<256x2048xi32>
    %or3A_218 = arith.ori %shift_left3A_214, %shift_right_logical3A_217 : vector<256x2048xi32>
    %xor3A_219 = arith.xori %add3A_211, %or3A_218 : vector<256x2048xi32>
    %add3A_220 = arith.addi %add3A_211, %xor3A_219 : vector<256x2048xi32>
    %shift_left3A_221 = arith.constant 6 : i32
    %shift_left3A_222 = vector.broadcast %shift_left3A_221 : i32 to vector<256x2048xi32>
    %shift_left3A_223 = arith.shli %xor3A_219, %shift_left3A_222 : vector<256x2048xi32>
    %shift_right_logical3A_224 = arith.constant 26 : i32
    %shift_right_logical3A_225 = vector.broadcast %shift_right_logical3A_224 : i32 to vector<256x2048xi32>
    %shift_right_logical3A_226 = arith.shrui %xor3A_219, %shift_right_logical3A_225 : vector<256x2048xi32>
    %or3A_227 = arith.ori %shift_left3A_223, %shift_right_logical3A_226 : vector<256x2048xi32>
    %xor3A_228 = arith.xori %add3A_220, %or3A_227 : vector<256x2048xi32>
    %add3A_229 = arith.constant 466689008 : i32
    %add3A_230 = vector.broadcast %add3A_229 : i32 to vector<256x2048xi32>
    %add3A_231 = arith.addi %add3A_220, %add3A_230 : vector<256x2048xi32>
    %add3A_232 = arith.constant 0 : i32
    %add3A_233 = vector.broadcast %add3A_232 : i32 to vector<256x2048xi32>
    %add3A_234 = arith.addi %xor3A_228, %add3A_233 : vector<256x2048xi32>
    %add3A_235 = arith.constant 5 : i32
    %add3A_236 = vector.broadcast %add3A_235 : i32 to vector<256x2048xi32>
    %add3A_237 = arith.addi %add3A_234, %add3A_236 : vector<256x2048xi32>
    %xor3A_238 = arith.xori %add3A_231, %add3A_237 : vector<256x2048xi32>
    %shift_right_logical3A_239 = arith.constant 9 : i32
    %shift_right_logical3A_240 = vector.broadcast %shift_right_logical3A_239 : i32 to vector<256x2048xi32>
    %shift_right_logical3A_241 = arith.shrui %xor3A_238, %shift_right_logical3A_240 : vector<256x2048xi32>
    %or3A_242 = arith.constant 1065353216 : i32
    %or3A_243 = vector.broadcast %or3A_242 : i32 to vector<256x2048xi32>
    %or3A_244 = arith.ori %shift_right_logical3A_241, %or3A_243 : vector<256x2048xi32>
    %bitcast_convert_type3A = tpu.bitcast %or3A_244 : vector<256x2048xi32> -> vector<256x2048xf32>
    %sub3A = arith.constant 1.000000e+00 : f32
    %sub3A_245 = vector.broadcast %sub3A : f32 to vector<256x2048xf32>
    %sub3A_246 = arith.subf %bitcast_convert_type3A, %sub3A_245 : vector<256x2048xf32>
    %mul3A_247 = arith.constant 1.000000e+00 : f32
    %mul3A_248 = vector.broadcast %mul3A_247 : f32 to vector<256x2048xf32>
    %mul3A_249 = arith.mulf %sub3A_246, %mul3A_248 : vector<256x2048xf32>
    %add3A_250 = arith.constant 1.17549435E-38 : f32
    %add3A_251 = vector.broadcast %add3A_250 : f32 to vector<256x2048xf32>
    %add3A_252 = arith.addf %mul3A_249, %add3A_251 : vector<256x2048xf32>
    %max3A = arith.constant 1.17549435E-38 : f32
    %max3A_253 = vector.broadcast %max3A : f32 to vector<256x2048xf32>
    %max3A_254 = arith.maximumf %max3A_253, %add3A_252 : vector<256x2048xf32>
    %log3A = math.log %max3A_254 : vector<256x2048xf32>
    %neg3A = arith.constant 0.000000e+00 : f32
    %neg3A_255 = vector.broadcast %neg3A : f32 to vector<256x2048xf32>
    %neg3A_256 = arith.subf %neg3A_255, %log3A : vector<256x2048xf32>
    %log3A_257 = math.log %neg3A_256 : vector<256x2048xf32>
    %neg3A_258 = arith.constant 0.000000e+00 : f32
    %neg3A_259 = vector.broadcast %neg3A_258 : f32 to vector<256x2048xf32>
    %neg3A_260 = arith.subf %neg3A_259, %log3A_257 : vector<256x2048xf32>
    %get3A = arith.constant 0 : index
    %get3A_261 = arith.constant 0 : index
    %get3A_262 = vector.load %arg2[%get3A, %get3A_261] : memref<256x2048xf32, #tpu.memory_space<vmem>>, vector<256x2048xf32>
    %add3A_263 = arith.addf %neg3A_260, %get3A_262 : vector<256x2048xf32>
    %lt3A = arith.constant 100000 : i32
    %lt3A_264 = vector.broadcast %lt3A : i32 to vector<256x2048xi32>
    %lt3A_265 = arith.cmpi slt, %add3A_8, %lt3A_264 : vector<256x2048xi32>
    %jit3A = arith.constant 0xFF800000 : f32
    %broadcast_in_dim3A_266 = vector.broadcast %jit3A : f32 to vector<256x2048xf32>
    %select_n3A = arith.select %lt3A_265, %add3A_263, %broadcast_in_dim3A_266 : vector<256x2048xi1>, vector<256x2048xf32>
    %reduce_max3A = arith.constant dense<0xFF800000> : vector<256xf32>
    %reduce_max3A_267 = vector.multi_reduction <maximumf>, %select_n3A, %reduce_max3A [1] : vector<256x2048xf32> to vector<256xf32>
    %broadcast_in_dim3A_268 = vector.shape_cast %reduce_max3A_267 : vector<256xf32> to vector<256x1xf32>
    %eq3A_269 = vector.broadcast %broadcast_in_dim3A_268 : vector<256x1xf32> to vector<256x2048xf32>
    %eq3A_270 = arith.cmpf oeq, %select_n3A, %eq3A_269 : vector<256x2048xf32>
    %jit3A_271 = arith.constant 2147483647 : i32
    %broadcast_in_dim3A_272 = vector.broadcast %jit3A_271 : i32 to vector<256x2048xi32>
    %select_n3A_273 = arith.select %eq3A_270, %add3A_8, %broadcast_in_dim3A_272 : vector<256x2048xi1>, vector<256x2048xi32>
    %reduce_min3A = arith.constant dense<2147483647> : vector<256xi32>
    %reduce_min3A_274 = vector.multi_reduction <minsi>, %select_n3A_273, %reduce_min3A [1] : vector<256x2048xi32> to vector<256xi32>
    %broadcast_in_dim3A_275 = vector.shape_cast %reduce_min3A_274 : vector<256xi32> to vector<256x1xi32>
    %get3A_276 = arith.constant 0 : index
    %get3A_277 = arith.constant 0 : index
    %get3A_278 = vector.load %arg4[%get3A_276, %get3A_277] : memref<256x1xf32, #tpu.memory_space<vmem>>, vector<256x1xf32>
    %gt3A = arith.cmpf ogt, %broadcast_in_dim3A_268, %get3A_278 : vector<256x1xf32>
    %get3A_279 = arith.constant 0 : index
    %get3A_280 = arith.constant 0 : index
    %get3A_281 = vector.load %arg4[%get3A_279, %get3A_280] : memref<256x1xf32, #tpu.memory_space<vmem>>, vector<256x1xf32>
    %select_n3A_282 = arith.select %gt3A, %broadcast_in_dim3A_268, %get3A_281 : vector<256x1xi1>, vector<256x1xf32>
    %swap3A = arith.constant 0 : index
    %swap3A_283 = arith.constant 0 : index
    %swap3A_284 = vector.load %arg4[%swap3A, %swap3A_283] : memref<256x1xf32, #tpu.memory_space<vmem>>, vector<256x1xf32>
    tpu.vector_store %arg4[%swap3A, %swap3A_283], %select_n3A_282 {strides = array<i32>} : memref<256x1xf32, #tpu.memory_space<vmem>>, vector<256x1xf32>,
    %get3A_285 = arith.constant 0 : index
    %get3A_286 = arith.constant 0 : index
    %get3A_287 = vector.load %arg5[%get3A_285, %get3A_286] : memref<256x1xi32, #tpu.memory_space<vmem>>, vector<256x1xi32>
    %select_n3A_288 = arith.select %gt3A, %broadcast_in_dim3A_275, %get3A_287 : vector<256x1xi1>, vector<256x1xi32>
    %swap3A_289 = arith.constant 0 : index
    %swap3A_290 = arith.constant 0 : index
    %swap3A_291 = vector.load %arg5[%swap3A_289, %swap3A_290] : memref<256x1xi32, #tpu.memory_space<vmem>>, vector<256x1xi32>
    tpu.vector_store %arg5[%swap3A_289, %swap3A_290], %select_n3A_288 {strides = array<i32>} : memref<256x1xi32, #tpu.memory_space<vmem>>, vector<256x1xi32>,
    %eq3A_292 = arith.constant 48 : i32
    %eq3A_293 = arith.cmpi eq, %arg1, %eq3A_292 : i32
    %convert_element_type3A_294 = arith.extui %eq3A_293 : i1 to i32
    %cond3A_295 = arith.constant 0 : i32
    %cond3A_296 = arith.cmpi ne, %convert_element_type3A_294, %cond3A_295 : i32
    scf.if %cond3A_296 {
      %get3A_297 = arith.constant 0 : index
      %get3A_298 = arith.constant 0 : index
      %get3A_299 = vector.load %arg5[%get3A_297, %get3A_298] : memref<256x1xi32, #tpu.memory_space<vmem>>, vector<256x1xi32>
      %swap3A_300 = arith.constant 0 : index
      %swap3A_301 = arith.constant 0 : index
      %swap3A_302 = vector.load %arg3[%swap3A_300, %swap3A_301] : memref<256x1xi32, #tpu.memory_space<vmem>>, vector<256x1xi32>
      tpu.vector_store %arg3[%swap3A_300, %swap3A_301], %get3A_299 {strides = array<i32>} : memref<256x1xi32, #tpu.memory_space<vmem>>, vector<256x1xi32>,
    } else {
    }
    return
  }
  func.func @transform_0(%arg0: i32, %arg1: i32) -> (i32, i32) {
    %c0_i32 = arith.constant 0 : i32
    return %arg0, %arg1 : i32, i32
  }
  func.func @transform_1(%arg0: i32, %arg1: i32) -> (i32, i32) {
    %c0_i32 = arith.constant 0 : i32
    %c0_i32_0 = arith.constant 0 : i32
    return %arg0, %c0_i32 : i32, i32
  }
}

module attributes {stable_mosaic.version = 14 : i64} {
  func.func @_patch_body(%arg0: memref<1024x1xi32, #tpu.memory_space<smem>>, %arg1: memref<8x1024x128xf32, #tpu.memory_space<vmem>>, %arg2: memref<1024x100000xf32, #tpu.memory_space<hbm>>, %arg3: memref<1024x100000xf32, #tpu.memory_space<hbm>>, %arg4: memref<!tpu.dma_semaphore, #tpu.memory_space<semaphore_mem>>) attributes {dimension_semantics = [], scalar_prefetch = 0 : i64, scratch_operands = 1 : i64, tpu.core_type = #tpu.core_type<tc>} {
    %scan3A = arith.constant 0 : i32
    %scan3A_0 = arith.constant 128 : i32
    %scan3A_1 = arith.addi %scan3A, %scan3A_0 : i32
    %scan3A_2 = arith.constant 1 : i32
    scf.for %scan3A_4 = %scan3A to %scan3A_1 step %scan3A_2  : i32 {
      %mul3A = arith.constant 8 : i32
      %mul3A_5 = arith.muli %scan3A_4, %mul3A : i32
      %add3A = arith.constant 0 : i32
      %add3A_6 = arith.addi %mul3A_5, %add3A : i32
      %get3A = arith.index_cast %add3A_6 : i32 to index
      %get3A_7 = arith.constant 0 : index
      %get3A_8 = memref.load %arg0[%get3A, %get3A_7] : memref<1024x1xi32, #tpu.memory_space<smem>>
      %jit3A = arith.constant 128 : i32
      %div3A = arith.divsi %get3A_8, %jit3A : i32
      %sign3A = arith.constant 0 : i32
      %sign3A_9 = arith.cmpi sgt, %get3A_8, %sign3A : i32
      %sign3A_10 = arith.extui %sign3A_9 : i1 to i32
      %sign3A_11 = arith.constant 0 : i32
      %sign3A_12 = arith.cmpi slt, %get3A_8, %sign3A_11 : i32
      %sign3A_13 = arith.extui %sign3A_12 : i1 to i32
      %sign3A_14 = arith.subi %sign3A_10, %sign3A_13 : i32
      %sign3A_15 = arith.constant 0 : i32
      %sign3A_16 = arith.cmpi sgt, %jit3A, %sign3A_15 : i32
      %sign3A_17 = arith.extui %sign3A_16 : i1 to i32
      %sign3A_18 = arith.constant 0 : i32
      %sign3A_19 = arith.cmpi slt, %jit3A, %sign3A_18 : i32
      %sign3A_20 = arith.extui %sign3A_19 : i1 to i32
      %sign3A_21 = arith.subi %sign3A_17, %sign3A_20 : i32
      %ne3A = arith.cmpi ne, %sign3A_14, %sign3A_21 : i32
      %rem3A = arith.remsi %get3A_8, %jit3A : i32
      %ne3A_22 = arith.constant 0 : i32
      %ne3A_23 = arith.cmpi ne, %rem3A, %ne3A_22 : i32
      %and3A = arith.andi %ne3A, %ne3A_23 : i1
      %sub3A = arith.constant 1 : i32
      %sub3A_24 = arith.subi %div3A, %sub3A : i32
      %select_n3A = arith.select %and3A, %sub3A_24, %div3A : i32
      %mul3A_25 = arith.constant 128 : i32
      %mul3A_26 = arith.muli %select_n3A, %mul3A_25 : i32
      %multiple_of3A = tpu.assume_multiple %mul3A_26, 128 : i32
      %mul3A_27 = arith.constant 8 : i32
      %mul3A_28 = arith.muli %scan3A_4, %mul3A_27 : i32
      %multiple_of3A_29 = tpu.assume_multiple %mul3A_28, 8 : i32
      %dma_start3A = arith.constant 0 : i32
      %dma_start3A_30 = tpu.memref_slice %arg3[%multiple_of3A_29, %multiple_of3A] : memref<1024x100000xf32, #tpu.memory_space<hbm>> -> memref<8x128xf32, #tpu.memory_space<hbm>>
      %dma_start3A_31 = arith.constant 0 : i32
      %dma_start3A_32 = tpu.memref_slice %arg1[%dma_start3A, %multiple_of3A_29, %dma_start3A_31] : memref<8x1024x128xf32, #tpu.memory_space<vmem>> -> memref<1x8x128xf32, #tpu.memory_space<vmem>>
      %dma_start3A_33 = tpu.memref_squeeze %dma_start3A_32 : memref<1x8x128xf32, #tpu.memory_space<vmem>> -> memref<8x128xf32, #tpu.memory_space<vmem>>
      tpu.enqueue_dma source(%dma_start3A_33 : memref<8x128xf32, #tpu.memory_space<vmem>>) target(%dma_start3A_30 : memref<8x128xf32, #tpu.memory_space<hbm>>) target_semaphore(%arg4 : memref<!tpu.dma_semaphore, #tpu.memory_space<semaphore_mem>>)
      %mul3A_34 = arith.constant 8 : i32
      %mul3A_35 = arith.muli %scan3A_4, %mul3A_34 : i32
      %add3A_36 = arith.constant 1 : i32
      %add3A_37 = arith.addi %mul3A_35, %add3A_36 : i32
      %get3A_38 = arith.index_cast %add3A_37 : i32 to index
      %get3A_39 = arith.constant 0 : index
      %get3A_40 = memref.load %arg0[%get3A_38, %get3A_39] : memref<1024x1xi32, #tpu.memory_space<smem>>
      %jit3A_41 = arith.constant 128 : i32
      %div3A_42 = arith.divsi %get3A_40, %jit3A_41 : i32
      %sign3A_43 = arith.constant 0 : i32
      %sign3A_44 = arith.cmpi sgt, %get3A_40, %sign3A_43 : i32
      %sign3A_45 = arith.extui %sign3A_44 : i1 to i32
      %sign3A_46 = arith.constant 0 : i32
      %sign3A_47 = arith.cmpi slt, %get3A_40, %sign3A_46 : i32
      %sign3A_48 = arith.extui %sign3A_47 : i1 to i32
      %sign3A_49 = arith.subi %sign3A_45, %sign3A_48 : i32
      %sign3A_50 = arith.constant 0 : i32
      %sign3A_51 = arith.cmpi sgt, %jit3A_41, %sign3A_50 : i32
      %sign3A_52 = arith.extui %sign3A_51 : i1 to i32
      %sign3A_53 = arith.constant 0 : i32
      %sign3A_54 = arith.cmpi slt, %jit3A_41, %sign3A_53 : i32
      %sign3A_55 = arith.extui %sign3A_54 : i1 to i32
      %sign3A_56 = arith.subi %sign3A_52, %sign3A_55 : i32
      %ne3A_57 = arith.cmpi ne, %sign3A_49, %sign3A_56 : i32
      %rem3A_58 = arith.remsi %get3A_40, %jit3A_41 : i32
      %ne3A_59 = arith.constant 0 : i32
      %ne3A_60 = arith.cmpi ne, %rem3A_58, %ne3A_59 : i32
      %and3A_61 = arith.andi %ne3A_57, %ne3A_60 : i1
      %sub3A_62 = arith.constant 1 : i32
      %sub3A_63 = arith.subi %div3A_42, %sub3A_62 : i32
      %select_n3A_64 = arith.select %and3A_61, %sub3A_63, %div3A_42 : i32
      %mul3A_65 = arith.constant 128 : i32
      %mul3A_66 = arith.muli %select_n3A_64, %mul3A_65 : i32
      %multiple_of3A_67 = tpu.assume_multiple %mul3A_66, 128 : i32
      %mul3A_68 = arith.constant 8 : i32
      %mul3A_69 = arith.muli %scan3A_4, %mul3A_68 : i32
      %multiple_of3A_70 = tpu.assume_multiple %mul3A_69, 8 : i32
      %dma_start3A_71 = arith.constant 1 : i32
      %dma_start3A_72 = tpu.memref_slice %arg3[%multiple_of3A_70, %multiple_of3A_67] : memref<1024x100000xf32, #tpu.memory_space<hbm>> -> memref<8x128xf32, #tpu.memory_space<hbm>>
      %dma_start3A_73 = arith.constant 0 : i32
      %dma_start3A_74 = tpu.memref_slice %arg1[%dma_start3A_71, %multiple_of3A_70, %dma_start3A_73] : memref<8x1024x128xf32, #tpu.memory_space<vmem>> -> memref<1x8x128xf32, #tpu.memory_space<vmem>>
      %dma_start3A_75 = tpu.memref_squeeze %dma_start3A_74 : memref<1x8x128xf32, #tpu.memory_space<vmem>> -> memref<8x128xf32, #tpu.memory_space<vmem>>
      tpu.enqueue_dma source(%dma_start3A_75 : memref<8x128xf32, #tpu.memory_space<vmem>>) target(%dma_start3A_72 : memref<8x128xf32, #tpu.memory_space<hbm>>) target_semaphore(%arg4 : memref<!tpu.dma_semaphore, #tpu.memory_space<semaphore_mem>>)
      %mul3A_76 = arith.constant 8 : i32
      %mul3A_77 = arith.muli %scan3A_4, %mul3A_76 : i32
      %add3A_78 = arith.constant 2 : i32
      %add3A_79 = arith.addi %mul3A_77, %add3A_78 : i32
      %get3A_80 = arith.index_cast %add3A_79 : i32 to index
      %get3A_81 = arith.constant 0 : index
      %get3A_82 = memref.load %arg0[%get3A_80, %get3A_81] : memref<1024x1xi32, #tpu.memory_space<smem>>
      %jit3A_83 = arith.constant 128 : i32
      %div3A_84 = arith.divsi %get3A_82, %jit3A_83 : i32
      %sign3A_85 = arith.constant 0 : i32
      %sign3A_86 = arith.cmpi sgt, %get3A_82, %sign3A_85 : i32
      %sign3A_87 = arith.extui %sign3A_86 : i1 to i32
      %sign3A_88 = arith.constant 0 : i32
      %sign3A_89 = arith.cmpi slt, %get3A_82, %sign3A_88 : i32
      %sign3A_90 = arith.extui %sign3A_89 : i1 to i32
      %sign3A_91 = arith.subi %sign3A_87, %sign3A_90 : i32
      %sign3A_92 = arith.constant 0 : i32
      %sign3A_93 = arith.cmpi sgt, %jit3A_83, %sign3A_92 : i32
      %sign3A_94 = arith.extui %sign3A_93 : i1 to i32
      %sign3A_95 = arith.constant 0 : i32
      %sign3A_96 = arith.cmpi slt, %jit3A_83, %sign3A_95 : i32
      %sign3A_97 = arith.extui %sign3A_96 : i1 to i32
      %sign3A_98 = arith.subi %sign3A_94, %sign3A_97 : i32
      %ne3A_99 = arith.cmpi ne, %sign3A_91, %sign3A_98 : i32
      %rem3A_100 = arith.remsi %get3A_82, %jit3A_83 : i32
      %ne3A_101 = arith.constant 0 : i32
      %ne3A_102 = arith.cmpi ne, %rem3A_100, %ne3A_101 : i32
      %and3A_103 = arith.andi %ne3A_99, %ne3A_102 : i1
      %sub3A_104 = arith.constant 1 : i32
      %sub3A_105 = arith.subi %div3A_84, %sub3A_104 : i32
      %select_n3A_106 = arith.select %and3A_103, %sub3A_105, %div3A_84 : i32
      %mul3A_107 = arith.constant 128 : i32
      %mul3A_108 = arith.muli %select_n3A_106, %mul3A_107 : i32
      %multiple_of3A_109 = tpu.assume_multiple %mul3A_108, 128 : i32
      %mul3A_110 = arith.constant 8 : i32
      %mul3A_111 = arith.muli %scan3A_4, %mul3A_110 : i32
      %multiple_of3A_112 = tpu.assume_multiple %mul3A_111, 8 : i32
      %dma_start3A_113 = arith.constant 2 : i32
      %dma_start3A_114 = tpu.memref_slice %arg3[%multiple_of3A_112, %multiple_of3A_109] : memref<1024x100000xf32, #tpu.memory_space<hbm>> -> memref<8x128xf32, #tpu.memory_space<hbm>>
      %dma_start3A_115 = arith.constant 0 : i32
      %dma_start3A_116 = tpu.memref_slice %arg1[%dma_start3A_113, %multiple_of3A_112, %dma_start3A_115] : memref<8x1024x128xf32, #tpu.memory_space<vmem>> -> memref<1x8x128xf32, #tpu.memory_space<vmem>>
      %dma_start3A_117 = tpu.memref_squeeze %dma_start3A_116 : memref<1x8x128xf32, #tpu.memory_space<vmem>> -> memref<8x128xf32, #tpu.memory_space<vmem>>
      tpu.enqueue_dma source(%dma_start3A_117 : memref<8x128xf32, #tpu.memory_space<vmem>>) target(%dma_start3A_114 : memref<8x128xf32, #tpu.memory_space<hbm>>) target_semaphore(%arg4 : memref<!tpu.dma_semaphore, #tpu.memory_space<semaphore_mem>>)
      %mul3A_118 = arith.constant 8 : i32
      %mul3A_119 = arith.muli %scan3A_4, %mul3A_118 : i32
      %add3A_120 = arith.constant 3 : i32
      %add3A_121 = arith.addi %mul3A_119, %add3A_120 : i32
      %get3A_122 = arith.index_cast %add3A_121 : i32 to index
      %get3A_123 = arith.constant 0 : index
      %get3A_124 = memref.load %arg0[%get3A_122, %get3A_123] : memref<1024x1xi32, #tpu.memory_space<smem>>
      %jit3A_125 = arith.constant 128 : i32
      %div3A_126 = arith.divsi %get3A_124, %jit3A_125 : i32
      %sign3A_127 = arith.constant 0 : i32
      %sign3A_128 = arith.cmpi sgt, %get3A_124, %sign3A_127 : i32
      %sign3A_129 = arith.extui %sign3A_128 : i1 to i32
      %sign3A_130 = arith.constant 0 : i32
      %sign3A_131 = arith.cmpi slt, %get3A_124, %sign3A_130 : i32
      %sign3A_132 = arith.extui %sign3A_131 : i1 to i32
      %sign3A_133 = arith.subi %sign3A_129, %sign3A_132 : i32
      %sign3A_134 = arith.constant 0 : i32
      %sign3A_135 = arith.cmpi sgt, %jit3A_125, %sign3A_134 : i32
      %sign3A_136 = arith.extui %sign3A_135 : i1 to i32
      %sign3A_137 = arith.constant 0 : i32
      %sign3A_138 = arith.cmpi slt, %jit3A_125, %sign3A_137 : i32
      %sign3A_139 = arith.extui %sign3A_138 : i1 to i32
      %sign3A_140 = arith.subi %sign3A_136, %sign3A_139 : i32
      %ne3A_141 = arith.cmpi ne, %sign3A_133, %sign3A_140 : i32
      %rem3A_142 = arith.remsi %get3A_124, %jit3A_125 : i32
      %ne3A_143 = arith.constant 0 : i32
      %ne3A_144 = arith.cmpi ne, %rem3A_142, %ne3A_143 : i32
      %and3A_145 = arith.andi %ne3A_141, %ne3A_144 : i1
      %sub3A_146 = arith.constant 1 : i32
      %sub3A_147 = arith.subi %div3A_126, %sub3A_146 : i32
      %select_n3A_148 = arith.select %and3A_145, %sub3A_147, %div3A_126 : i32
      %mul3A_149 = arith.constant 128 : i32
      %mul3A_150 = arith.muli %select_n3A_148, %mul3A_149 : i32
      %multiple_of3A_151 = tpu.assume_multiple %mul3A_150, 128 : i32
      %mul3A_152 = arith.constant 8 : i32
      %mul3A_153 = arith.muli %scan3A_4, %mul3A_152 : i32
      %multiple_of3A_154 = tpu.assume_multiple %mul3A_153, 8 : i32
      %dma_start3A_155 = arith.constant 3 : i32
      %dma_start3A_156 = tpu.memref_slice %arg3[%multiple_of3A_154, %multiple_of3A_151] : memref<1024x100000xf32, #tpu.memory_space<hbm>> -> memref<8x128xf32, #tpu.memory_space<hbm>>
      %dma_start3A_157 = arith.constant 0 : i32
      %dma_start3A_158 = tpu.memref_slice %arg1[%dma_start3A_155, %multiple_of3A_154, %dma_start3A_157] : memref<8x1024x128xf32, #tpu.memory_space<vmem>> -> memref<1x8x128xf32, #tpu.memory_space<vmem>>
      %dma_start3A_159 = tpu.memref_squeeze %dma_start3A_158 : memref<1x8x128xf32, #tpu.memory_space<vmem>> -> memref<8x128xf32, #tpu.memory_space<vmem>>
      tpu.enqueue_dma source(%dma_start3A_159 : memref<8x128xf32, #tpu.memory_space<vmem>>) target(%dma_start3A_156 : memref<8x128xf32, #tpu.memory_space<hbm>>) target_semaphore(%arg4 : memref<!tpu.dma_semaphore, #tpu.memory_space<semaphore_mem>>)
      %mul3A_160 = arith.constant 8 : i32
      %mul3A_161 = arith.muli %scan3A_4, %mul3A_160 : i32
      %add3A_162 = arith.constant 4 : i32
      %add3A_163 = arith.addi %mul3A_161, %add3A_162 : i32
      %get3A_164 = arith.index_cast %add3A_163 : i32 to index
      %get3A_165 = arith.constant 0 : index
      %get3A_166 = memref.load %arg0[%get3A_164, %get3A_165] : memref<1024x1xi32, #tpu.memory_space<smem>>
      %jit3A_167 = arith.constant 128 : i32
      %div3A_168 = arith.divsi %get3A_166, %jit3A_167 : i32
      %sign3A_169 = arith.constant 0 : i32
      %sign3A_170 = arith.cmpi sgt, %get3A_166, %sign3A_169 : i32
      %sign3A_171 = arith.extui %sign3A_170 : i1 to i32
      %sign3A_172 = arith.constant 0 : i32
      %sign3A_173 = arith.cmpi slt, %get3A_166, %sign3A_172 : i32
      %sign3A_174 = arith.extui %sign3A_173 : i1 to i32
      %sign3A_175 = arith.subi %sign3A_171, %sign3A_174 : i32
      %sign3A_176 = arith.constant 0 : i32
      %sign3A_177 = arith.cmpi sgt, %jit3A_167, %sign3A_176 : i32
      %sign3A_178 = arith.extui %sign3A_177 : i1 to i32
      %sign3A_179 = arith.constant 0 : i32
      %sign3A_180 = arith.cmpi slt, %jit3A_167, %sign3A_179 : i32
      %sign3A_181 = arith.extui %sign3A_180 : i1 to i32
      %sign3A_182 = arith.subi %sign3A_178, %sign3A_181 : i32
      %ne3A_183 = arith.cmpi ne, %sign3A_175, %sign3A_182 : i32
      %rem3A_184 = arith.remsi %get3A_166, %jit3A_167 : i32
      %ne3A_185 = arith.constant 0 : i32
      %ne3A_186 = arith.cmpi ne, %rem3A_184, %ne3A_185 : i32
      %and3A_187 = arith.andi %ne3A_183, %ne3A_186 : i1
      %sub3A_188 = arith.constant 1 : i32
      %sub3A_189 = arith.subi %div3A_168, %sub3A_188 : i32
      %select_n3A_190 = arith.select %and3A_187, %sub3A_189, %div3A_168 : i32
      %mul3A_191 = arith.constant 128 : i32
      %mul3A_192 = arith.muli %select_n3A_190, %mul3A_191 : i32
      %multiple_of3A_193 = tpu.assume_multiple %mul3A_192, 128 : i32
      %mul3A_194 = arith.constant 8 : i32
      %mul3A_195 = arith.muli %scan3A_4, %mul3A_194 : i32
      %multiple_of3A_196 = tpu.assume_multiple %mul3A_195, 8 : i32
      %dma_start3A_197 = arith.constant 4 : i32
      %dma_start3A_198 = tpu.memref_slice %arg3[%multiple_of3A_196, %multiple_of3A_193] : memref<1024x100000xf32, #tpu.memory_space<hbm>> -> memref<8x128xf32, #tpu.memory_space<hbm>>
      %dma_start3A_199 = arith.constant 0 : i32
      %dma_start3A_200 = tpu.memref_slice %arg1[%dma_start3A_197, %multiple_of3A_196, %dma_start3A_199] : memref<8x1024x128xf32, #tpu.memory_space<vmem>> -> memref<1x8x128xf32, #tpu.memory_space<vmem>>
      %dma_start3A_201 = tpu.memref_squeeze %dma_start3A_200 : memref<1x8x128xf32, #tpu.memory_space<vmem>> -> memref<8x128xf32, #tpu.memory_space<vmem>>
      tpu.enqueue_dma source(%dma_start3A_201 : memref<8x128xf32, #tpu.memory_space<vmem>>) target(%dma_start3A_198 : memref<8x128xf32, #tpu.memory_space<hbm>>) target_semaphore(%arg4 : memref<!tpu.dma_semaphore, #tpu.memory_space<semaphore_mem>>)
      %mul3A_202 = arith.constant 8 : i32
      %mul3A_203 = arith.muli %scan3A_4, %mul3A_202 : i32
      %add3A_204 = arith.constant 5 : i32
      %add3A_205 = arith.addi %mul3A_203, %add3A_204 : i32
      %get3A_206 = arith.index_cast %add3A_205 : i32 to index
      %get3A_207 = arith.constant 0 : index
      %get3A_208 = memref.load %arg0[%get3A_206, %get3A_207] : memref<1024x1xi32, #tpu.memory_space<smem>>
      %jit3A_209 = arith.constant 128 : i32
      %div3A_210 = arith.divsi %get3A_208, %jit3A_209 : i32
      %sign3A_211 = arith.constant 0 : i32
      %sign3A_212 = arith.cmpi sgt, %get3A_208, %sign3A_211 : i32
      %sign3A_213 = arith.extui %sign3A_212 : i1 to i32
      %sign3A_214 = arith.constant 0 : i32
      %sign3A_215 = arith.cmpi slt, %get3A_208, %sign3A_214 : i32
      %sign3A_216 = arith.extui %sign3A_215 : i1 to i32
      %sign3A_217 = arith.subi %sign3A_213, %sign3A_216 : i32
      %sign3A_218 = arith.constant 0 : i32
      %sign3A_219 = arith.cmpi sgt, %jit3A_209, %sign3A_218 : i32
      %sign3A_220 = arith.extui %sign3A_219 : i1 to i32
      %sign3A_221 = arith.constant 0 : i32
      %sign3A_222 = arith.cmpi slt, %jit3A_209, %sign3A_221 : i32
      %sign3A_223 = arith.extui %sign3A_222 : i1 to i32
      %sign3A_224 = arith.subi %sign3A_220, %sign3A_223 : i32
      %ne3A_225 = arith.cmpi ne, %sign3A_217, %sign3A_224 : i32
      %rem3A_226 = arith.remsi %get3A_208, %jit3A_209 : i32
      %ne3A_227 = arith.constant 0 : i32
      %ne3A_228 = arith.cmpi ne, %rem3A_226, %ne3A_227 : i32
      %and3A_229 = arith.andi %ne3A_225, %ne3A_228 : i1
      %sub3A_230 = arith.constant 1 : i32
      %sub3A_231 = arith.subi %div3A_210, %sub3A_230 : i32
      %select_n3A_232 = arith.select %and3A_229, %sub3A_231, %div3A_210 : i32
      %mul3A_233 = arith.constant 128 : i32
      %mul3A_234 = arith.muli %select_n3A_232, %mul3A_233 : i32
      %multiple_of3A_235 = tpu.assume_multiple %mul3A_234, 128 : i32
      %mul3A_236 = arith.constant 8 : i32
      %mul3A_237 = arith.muli %scan3A_4, %mul3A_236 : i32
      %multiple_of3A_238 = tpu.assume_multiple %mul3A_237, 8 : i32
      %dma_start3A_239 = arith.constant 5 : i32
      %dma_start3A_240 = tpu.memref_slice %arg3[%multiple_of3A_238, %multiple_of3A_235] : memref<1024x100000xf32, #tpu.memory_space<hbm>> -> memref<8x128xf32, #tpu.memory_space<hbm>>
      %dma_start3A_241 = arith.constant 0 : i32
      %dma_start3A_242 = tpu.memref_slice %arg1[%dma_start3A_239, %multiple_of3A_238, %dma_start3A_241] : memref<8x1024x128xf32, #tpu.memory_space<vmem>> -> memref<1x8x128xf32, #tpu.memory_space<vmem>>
      %dma_start3A_243 = tpu.memref_squeeze %dma_start3A_242 : memref<1x8x128xf32, #tpu.memory_space<vmem>> -> memref<8x128xf32, #tpu.memory_space<vmem>>
      tpu.enqueue_dma source(%dma_start3A_243 : memref<8x128xf32, #tpu.memory_space<vmem>>) target(%dma_start3A_240 : memref<8x128xf32, #tpu.memory_space<hbm>>) target_semaphore(%arg4 : memref<!tpu.dma_semaphore, #tpu.memory_space<semaphore_mem>>)
      %mul3A_244 = arith.constant 8 : i32
      %mul3A_245 = arith.muli %scan3A_4, %mul3A_244 : i32
      %add3A_246 = arith.constant 6 : i32
      %add3A_247 = arith.addi %mul3A_245, %add3A_246 : i32
      %get3A_248 = arith.index_cast %add3A_247 : i32 to index
      %get3A_249 = arith.constant 0 : index
      %get3A_250 = memref.load %arg0[%get3A_248, %get3A_249] : memref<1024x1xi32, #tpu.memory_space<smem>>
      %jit3A_251 = arith.constant 128 : i32
      %div3A_252 = arith.divsi %get3A_250, %jit3A_251 : i32
      %sign3A_253 = arith.constant 0 : i32
      %sign3A_254 = arith.cmpi sgt, %get3A_250, %sign3A_253 : i32
      %sign3A_255 = arith.extui %sign3A_254 : i1 to i32
      %sign3A_256 = arith.constant 0 : i32
      %sign3A_257 = arith.cmpi slt, %get3A_250, %sign3A_256 : i32
      %sign3A_258 = arith.extui %sign3A_257 : i1 to i32
      %sign3A_259 = arith.subi %sign3A_255, %sign3A_258 : i32
      %sign3A_260 = arith.constant 0 : i32
      %sign3A_261 = arith.cmpi sgt, %jit3A_251, %sign3A_260 : i32
      %sign3A_262 = arith.extui %sign3A_261 : i1 to i32
      %sign3A_263 = arith.constant 0 : i32
      %sign3A_264 = arith.cmpi slt, %jit3A_251, %sign3A_263 : i32
      %sign3A_265 = arith.extui %sign3A_264 : i1 to i32
      %sign3A_266 = arith.subi %sign3A_262, %sign3A_265 : i32
      %ne3A_267 = arith.cmpi ne, %sign3A_259, %sign3A_266 : i32
      %rem3A_268 = arith.remsi %get3A_250, %jit3A_251 : i32
      %ne3A_269 = arith.constant 0 : i32
      %ne3A_270 = arith.cmpi ne, %rem3A_268, %ne3A_269 : i32
      %and3A_271 = arith.andi %ne3A_267, %ne3A_270 : i1
      %sub3A_272 = arith.constant 1 : i32
      %sub3A_273 = arith.subi %div3A_252, %sub3A_272 : i32
      %select_n3A_274 = arith.select %and3A_271, %sub3A_273, %div3A_252 : i32
      %mul3A_275 = arith.constant 128 : i32
      %mul3A_276 = arith.muli %select_n3A_274, %mul3A_275 : i32
      %multiple_of3A_277 = tpu.assume_multiple %mul3A_276, 128 : i32
      %mul3A_278 = arith.constant 8 : i32
      %mul3A_279 = arith.muli %scan3A_4, %mul3A_278 : i32
      %multiple_of3A_280 = tpu.assume_multiple %mul3A_279, 8 : i32
      %dma_start3A_281 = arith.constant 6 : i32
      %dma_start3A_282 = tpu.memref_slice %arg3[%multiple_of3A_280, %multiple_of3A_277] : memref<1024x100000xf32, #tpu.memory_space<hbm>> -> memref<8x128xf32, #tpu.memory_space<hbm>>
      %dma_start3A_283 = arith.constant 0 : i32
      %dma_start3A_284 = tpu.memref_slice %arg1[%dma_start3A_281, %multiple_of3A_280, %dma_start3A_283] : memref<8x1024x128xf32, #tpu.memory_space<vmem>> -> memref<1x8x128xf32, #tpu.memory_space<vmem>>
      %dma_start3A_285 = tpu.memref_squeeze %dma_start3A_284 : memref<1x8x128xf32, #tpu.memory_space<vmem>> -> memref<8x128xf32, #tpu.memory_space<vmem>>
      tpu.enqueue_dma source(%dma_start3A_285 : memref<8x128xf32, #tpu.memory_space<vmem>>) target(%dma_start3A_282 : memref<8x128xf32, #tpu.memory_space<hbm>>) target_semaphore(%arg4 : memref<!tpu.dma_semaphore, #tpu.memory_space<semaphore_mem>>)
      %mul3A_286 = arith.constant 8 : i32
      %mul3A_287 = arith.muli %scan3A_4, %mul3A_286 : i32
      %add3A_288 = arith.constant 7 : i32
      %add3A_289 = arith.addi %mul3A_287, %add3A_288 : i32
      %get3A_290 = arith.index_cast %add3A_289 : i32 to index
      %get3A_291 = arith.constant 0 : index
      %get3A_292 = memref.load %arg0[%get3A_290, %get3A_291] : memref<1024x1xi32, #tpu.memory_space<smem>>
      %jit3A_293 = arith.constant 128 : i32
      %div3A_294 = arith.divsi %get3A_292, %jit3A_293 : i32
      %sign3A_295 = arith.constant 0 : i32
      %sign3A_296 = arith.cmpi sgt, %get3A_292, %sign3A_295 : i32
      %sign3A_297 = arith.extui %sign3A_296 : i1 to i32
      %sign3A_298 = arith.constant 0 : i32
      %sign3A_299 = arith.cmpi slt, %get3A_292, %sign3A_298 : i32
      %sign3A_300 = arith.extui %sign3A_299 : i1 to i32
      %sign3A_301 = arith.subi %sign3A_297, %sign3A_300 : i32
      %sign3A_302 = arith.constant 0 : i32
      %sign3A_303 = arith.cmpi sgt, %jit3A_293, %sign3A_302 : i32
      %sign3A_304 = arith.extui %sign3A_303 : i1 to i32
      %sign3A_305 = arith.constant 0 : i32
      %sign3A_306 = arith.cmpi slt, %jit3A_293, %sign3A_305 : i32
      %sign3A_307 = arith.extui %sign3A_306 : i1 to i32
      %sign3A_308 = arith.subi %sign3A_304, %sign3A_307 : i32
      %ne3A_309 = arith.cmpi ne, %sign3A_301, %sign3A_308 : i32
      %rem3A_310 = arith.remsi %get3A_292, %jit3A_293 : i32
      %ne3A_311 = arith.constant 0 : i32
      %ne3A_312 = arith.cmpi ne, %rem3A_310, %ne3A_311 : i32
      %and3A_313 = arith.andi %ne3A_309, %ne3A_312 : i1
      %sub3A_314 = arith.constant 1 : i32
      %sub3A_315 = arith.subi %div3A_294, %sub3A_314 : i32
      %select_n3A_316 = arith.select %and3A_313, %sub3A_315, %div3A_294 : i32
      %mul3A_317 = arith.constant 128 : i32
      %mul3A_318 = arith.muli %select_n3A_316, %mul3A_317 : i32
      %multiple_of3A_319 = tpu.assume_multiple %mul3A_318, 128 : i32
      %mul3A_320 = arith.constant 8 : i32
      %mul3A_321 = arith.muli %scan3A_4, %mul3A_320 : i32
      %multiple_of3A_322 = tpu.assume_multiple %mul3A_321, 8 : i32
      %dma_start3A_323 = arith.constant 7 : i32
      %dma_start3A_324 = tpu.memref_slice %arg3[%multiple_of3A_322, %multiple_of3A_319] : memref<1024x100000xf32, #tpu.memory_space<hbm>> -> memref<8x128xf32, #tpu.memory_space<hbm>>
      %dma_start3A_325 = arith.constant 0 : i32
      %dma_start3A_326 = tpu.memref_slice %arg1[%dma_start3A_323, %multiple_of3A_322, %dma_start3A_325] : memref<8x1024x128xf32, #tpu.memory_space<vmem>> -> memref<1x8x128xf32, #tpu.memory_space<vmem>>
      %dma_start3A_327 = tpu.memref_squeeze %dma_start3A_326 : memref<1x8x128xf32, #tpu.memory_space<vmem>> -> memref<8x128xf32, #tpu.memory_space<vmem>>
      tpu.enqueue_dma source(%dma_start3A_327 : memref<8x128xf32, #tpu.memory_space<vmem>>) target(%dma_start3A_324 : memref<8x128xf32, #tpu.memory_space<hbm>>) target_semaphore(%arg4 : memref<!tpu.dma_semaphore, #tpu.memory_space<semaphore_mem>>)
      %mul3A_328 = arith.constant 8 : i32
      %mul3A_329 = arith.muli %scan3A_4, %mul3A_328 : i32
      %add3A_330 = arith.constant 0 : i32
      %add3A_331 = arith.addi %mul3A_329, %add3A_330 : i32
      %get3A_332 = arith.index_cast %add3A_331 : i32 to index
      %get3A_333 = arith.constant 0 : index
      %get3A_334 = memref.load %arg0[%get3A_332, %get3A_333] : memref<1024x1xi32, #tpu.memory_space<smem>>
      %jit3A_335 = arith.constant 128 : i32
      %div3A_336 = arith.divsi %get3A_334, %jit3A_335 : i32
      %sign3A_337 = arith.constant 0 : i32
      %sign3A_338 = arith.cmpi sgt, %get3A_334, %sign3A_337 : i32
      %sign3A_339 = arith.extui %sign3A_338 : i1 to i32
      %sign3A_340 = arith.constant 0 : i32
      %sign3A_341 = arith.cmpi slt, %get3A_334, %sign3A_340 : i32
      %sign3A_342 = arith.extui %sign3A_341 : i1 to i32
      %sign3A_343 = arith.subi %sign3A_339, %sign3A_342 : i32
      %sign3A_344 = arith.constant 0 : i32
      %sign3A_345 = arith.cmpi sgt, %jit3A_335, %sign3A_344 : i32
      %sign3A_346 = arith.extui %sign3A_345 : i1 to i32
      %sign3A_347 = arith.constant 0 : i32
      %sign3A_348 = arith.cmpi slt, %jit3A_335, %sign3A_347 : i32
      %sign3A_349 = arith.extui %sign3A_348 : i1 to i32
      %sign3A_350 = arith.subi %sign3A_346, %sign3A_349 : i32
      %ne3A_351 = arith.cmpi ne, %sign3A_343, %sign3A_350 : i32
      %rem3A_352 = arith.remsi %get3A_334, %jit3A_335 : i32
      %ne3A_353 = arith.constant 0 : i32
      %ne3A_354 = arith.cmpi ne, %rem3A_352, %ne3A_353 : i32
      %and3A_355 = arith.andi %ne3A_351, %ne3A_354 : i1
      %sub3A_356 = arith.constant 1 : i32
      %sub3A_357 = arith.subi %div3A_336, %sub3A_356 : i32
      %select_n3A_358 = arith.select %and3A_355, %sub3A_357, %div3A_336 : i32
      %mul3A_359 = arith.constant 128 : i32
      %mul3A_360 = arith.muli %select_n3A_358, %mul3A_359 : i32
      %multiple_of3A_361 = tpu.assume_multiple %mul3A_360, 128 : i32
      %mul3A_362 = arith.constant 8 : i32
      %mul3A_363 = arith.muli %scan3A_4, %mul3A_362 : i32
      %multiple_of3A_364 = tpu.assume_multiple %mul3A_363, 8 : i32
      %dma_wait3A = arith.constant 0 : i32
      %dma_wait3A_365 = tpu.memref_slice %arg3[%multiple_of3A_364, %multiple_of3A_361] : memref<1024x100000xf32, #tpu.memory_space<hbm>> -> memref<8x128xf32, #tpu.memory_space<hbm>>
      %dma_wait3A_366 = arith.constant 0 : i32
      %dma_wait3A_367 = tpu.memref_slice %arg1[%dma_wait3A, %multiple_of3A_364, %dma_wait3A_366] : memref<8x1024x128xf32, #tpu.memory_space<vmem>> -> memref<1x8x128xf32, #tpu.memory_space<vmem>>
      %dma_wait3A_368 = tpu.memref_squeeze %dma_wait3A_367 : memref<1x8x128xf32, #tpu.memory_space<vmem>> -> memref<8x128xf32, #tpu.memory_space<vmem>>
      tpu.wait_dma2 semaphore(%arg4 : memref<!tpu.dma_semaphore, #tpu.memory_space<semaphore_mem>>) src(%dma_wait3A_368 : memref<8x128xf32, #tpu.memory_space<vmem>>) dst(%dma_wait3A_365 : memref<8x128xf32, #tpu.memory_space<hbm>>)
      %mul3A_369 = arith.constant 8 : i32
      %mul3A_370 = arith.muli %scan3A_4, %mul3A_369 : i32
      %add3A_371 = arith.constant 1 : i32
      %add3A_372 = arith.addi %mul3A_370, %add3A_371 : i32
      %get3A_373 = arith.index_cast %add3A_372 : i32 to index
      %get3A_374 = arith.constant 0 : index
      %get3A_375 = memref.load %arg0[%get3A_373, %get3A_374] : memref<1024x1xi32, #tpu.memory_space<smem>>
      %jit3A_376 = arith.constant 128 : i32
      %div3A_377 = arith.divsi %get3A_375, %jit3A_376 : i32
      %sign3A_378 = arith.constant 0 : i32
      %sign3A_379 = arith.cmpi sgt, %get3A_375, %sign3A_378 : i32
      %sign3A_380 = arith.extui %sign3A_379 : i1 to i32
      %sign3A_381 = arith.constant 0 : i32
      %sign3A_382 = arith.cmpi slt, %get3A_375, %sign3A_381 : i32
      %sign3A_383 = arith.extui %sign3A_382 : i1 to i32
      %sign3A_384 = arith.subi %sign3A_380, %sign3A_383 : i32
      %sign3A_385 = arith.constant 0 : i32
      %sign3A_386 = arith.cmpi sgt, %jit3A_376, %sign3A_385 : i32
      %sign3A_387 = arith.extui %sign3A_386 : i1 to i32
      %sign3A_388 = arith.constant 0 : i32
      %sign3A_389 = arith.cmpi slt, %jit3A_376, %sign3A_388 : i32
      %sign3A_390 = arith.extui %sign3A_389 : i1 to i32
      %sign3A_391 = arith.subi %sign3A_387, %sign3A_390 : i32
      %ne3A_392 = arith.cmpi ne, %sign3A_384, %sign3A_391 : i32
      %rem3A_393 = arith.remsi %get3A_375, %jit3A_376 : i32
      %ne3A_394 = arith.constant 0 : i32
      %ne3A_395 = arith.cmpi ne, %rem3A_393, %ne3A_394 : i32
      %and3A_396 = arith.andi %ne3A_392, %ne3A_395 : i1
      %sub3A_397 = arith.constant 1 : i32
      %sub3A_398 = arith.subi %div3A_377, %sub3A_397 : i32
      %select_n3A_399 = arith.select %and3A_396, %sub3A_398, %div3A_377 : i32
      %mul3A_400 = arith.constant 128 : i32
      %mul3A_401 = arith.muli %select_n3A_399, %mul3A_400 : i32
      %multiple_of3A_402 = tpu.assume_multiple %mul3A_401, 128 : i32
      %mul3A_403 = arith.constant 8 : i32
      %mul3A_404 = arith.muli %scan3A_4, %mul3A_403 : i32
      %multiple_of3A_405 = tpu.assume_multiple %mul3A_404, 8 : i32
      %dma_wait3A_406 = arith.constant 1 : i32
      %dma_wait3A_407 = tpu.memref_slice %arg3[%multiple_of3A_405, %multiple_of3A_402] : memref<1024x100000xf32, #tpu.memory_space<hbm>> -> memref<8x128xf32, #tpu.memory_space<hbm>>
      %dma_wait3A_408 = arith.constant 0 : i32
      %dma_wait3A_409 = tpu.memref_slice %arg1[%dma_wait3A_406, %multiple_of3A_405, %dma_wait3A_408] : memref<8x1024x128xf32, #tpu.memory_space<vmem>> -> memref<1x8x128xf32, #tpu.memory_space<vmem>>
      %dma_wait3A_410 = tpu.memref_squeeze %dma_wait3A_409 : memref<1x8x128xf32, #tpu.memory_space<vmem>> -> memref<8x128xf32, #tpu.memory_space<vmem>>
      tpu.wait_dma2 semaphore(%arg4 : memref<!tpu.dma_semaphore, #tpu.memory_space<semaphore_mem>>) src(%dma_wait3A_410 : memref<8x128xf32, #tpu.memory_space<vmem>>) dst(%dma_wait3A_407 : memref<8x128xf32, #tpu.memory_space<hbm>>)
      %mul3A_411 = arith.constant 8 : i32
      %mul3A_412 = arith.muli %scan3A_4, %mul3A_411 : i32
      %add3A_413 = arith.constant 2 : i32
      %add3A_414 = arith.addi %mul3A_412, %add3A_413 : i32
      %get3A_415 = arith.index_cast %add3A_414 : i32 to index
      %get3A_416 = arith.constant 0 : index
      %get3A_417 = memref.load %arg0[%get3A_415, %get3A_416] : memref<1024x1xi32, #tpu.memory_space<smem>>
      %jit3A_418 = arith.constant 128 : i32
      %div3A_419 = arith.divsi %get3A_417, %jit3A_418 : i32
      %sign3A_420 = arith.constant 0 : i32
      %sign3A_421 = arith.cmpi sgt, %get3A_417, %sign3A_420 : i32
      %sign3A_422 = arith.extui %sign3A_421 : i1 to i32
      %sign3A_423 = arith.constant 0 : i32
      %sign3A_424 = arith.cmpi slt, %get3A_417, %sign3A_423 : i32
      %sign3A_425 = arith.extui %sign3A_424 : i1 to i32
      %sign3A_426 = arith.subi %sign3A_422, %sign3A_425 : i32
      %sign3A_427 = arith.constant 0 : i32
      %sign3A_428 = arith.cmpi sgt, %jit3A_418, %sign3A_427 : i32
      %sign3A_429 = arith.extui %sign3A_428 : i1 to i32
      %sign3A_430 = arith.constant 0 : i32
      %sign3A_431 = arith.cmpi slt, %jit3A_418, %sign3A_430 : i32
      %sign3A_432 = arith.extui %sign3A_431 : i1 to i32
      %sign3A_433 = arith.subi %sign3A_429, %sign3A_432 : i32
      %ne3A_434 = arith.cmpi ne, %sign3A_426, %sign3A_433 : i32
      %rem3A_435 = arith.remsi %get3A_417, %jit3A_418 : i32
      %ne3A_436 = arith.constant 0 : i32
      %ne3A_437 = arith.cmpi ne, %rem3A_435, %ne3A_436 : i32
      %and3A_438 = arith.andi %ne3A_434, %ne3A_437 : i1
      %sub3A_439 = arith.constant 1 : i32
      %sub3A_440 = arith.subi %div3A_419, %sub3A_439 : i32
      %select_n3A_441 = arith.select %and3A_438, %sub3A_440, %div3A_419 : i32
      %mul3A_442 = arith.constant 128 : i32
      %mul3A_443 = arith.muli %select_n3A_441, %mul3A_442 : i32
      %multiple_of3A_444 = tpu.assume_multiple %mul3A_443, 128 : i32
      %mul3A_445 = arith.constant 8 : i32
      %mul3A_446 = arith.muli %scan3A_4, %mul3A_445 : i32
      %multiple_of3A_447 = tpu.assume_multiple %mul3A_446, 8 : i32
      %dma_wait3A_448 = arith.constant 2 : i32
      %dma_wait3A_449 = tpu.memref_slice %arg3[%multiple_of3A_447, %multiple_of3A_444] : memref<1024x100000xf32, #tpu.memory_space<hbm>> -> memref<8x128xf32, #tpu.memory_space<hbm>>
      %dma_wait3A_450 = arith.constant 0 : i32
      %dma_wait3A_451 = tpu.memref_slice %arg1[%dma_wait3A_448, %multiple_of3A_447, %dma_wait3A_450] : memref<8x1024x128xf32, #tpu.memory_space<vmem>> -> memref<1x8x128xf32, #tpu.memory_space<vmem>>
      %dma_wait3A_452 = tpu.memref_squeeze %dma_wait3A_451 : memref<1x8x128xf32, #tpu.memory_space<vmem>> -> memref<8x128xf32, #tpu.memory_space<vmem>>
      tpu.wait_dma2 semaphore(%arg4 : memref<!tpu.dma_semaphore, #tpu.memory_space<semaphore_mem>>) src(%dma_wait3A_452 : memref<8x128xf32, #tpu.memory_space<vmem>>) dst(%dma_wait3A_449 : memref<8x128xf32, #tpu.memory_space<hbm>>)
      %mul3A_453 = arith.constant 8 : i32
      %mul3A_454 = arith.muli %scan3A_4, %mul3A_453 : i32
      %add3A_455 = arith.constant 3 : i32
      %add3A_456 = arith.addi %mul3A_454, %add3A_455 : i32
      %get3A_457 = arith.index_cast %add3A_456 : i32 to index
      %get3A_458 = arith.constant 0 : index
      %get3A_459 = memref.load %arg0[%get3A_457, %get3A_458] : memref<1024x1xi32, #tpu.memory_space<smem>>
      %jit3A_460 = arith.constant 128 : i32
      %div3A_461 = arith.divsi %get3A_459, %jit3A_460 : i32
      %sign3A_462 = arith.constant 0 : i32
      %sign3A_463 = arith.cmpi sgt, %get3A_459, %sign3A_462 : i32
      %sign3A_464 = arith.extui %sign3A_463 : i1 to i32
      %sign3A_465 = arith.constant 0 : i32
      %sign3A_466 = arith.cmpi slt, %get3A_459, %sign3A_465 : i32
      %sign3A_467 = arith.extui %sign3A_466 : i1 to i32
      %sign3A_468 = arith.subi %sign3A_464, %sign3A_467 : i32
      %sign3A_469 = arith.constant 0 : i32
      %sign3A_470 = arith.cmpi sgt, %jit3A_460, %sign3A_469 : i32
      %sign3A_471 = arith.extui %sign3A_470 : i1 to i32
      %sign3A_472 = arith.constant 0 : i32
      %sign3A_473 = arith.cmpi slt, %jit3A_460, %sign3A_472 : i32
      %sign3A_474 = arith.extui %sign3A_473 : i1 to i32
      %sign3A_475 = arith.subi %sign3A_471, %sign3A_474 : i32
      %ne3A_476 = arith.cmpi ne, %sign3A_468, %sign3A_475 : i32
      %rem3A_477 = arith.remsi %get3A_459, %jit3A_460 : i32
      %ne3A_478 = arith.constant 0 : i32
      %ne3A_479 = arith.cmpi ne, %rem3A_477, %ne3A_478 : i32
      %and3A_480 = arith.andi %ne3A_476, %ne3A_479 : i1
      %sub3A_481 = arith.constant 1 : i32
      %sub3A_482 = arith.subi %div3A_461, %sub3A_481 : i32
      %select_n3A_483 = arith.select %and3A_480, %sub3A_482, %div3A_461 : i32
      %mul3A_484 = arith.constant 128 : i32
      %mul3A_485 = arith.muli %select_n3A_483, %mul3A_484 : i32
      %multiple_of3A_486 = tpu.assume_multiple %mul3A_485, 128 : i32
      %mul3A_487 = arith.constant 8 : i32
      %mul3A_488 = arith.muli %scan3A_4, %mul3A_487 : i32
      %multiple_of3A_489 = tpu.assume_multiple %mul3A_488, 8 : i32
      %dma_wait3A_490 = arith.constant 3 : i32
      %dma_wait3A_491 = tpu.memref_slice %arg3[%multiple_of3A_489, %multiple_of3A_486] : memref<1024x100000xf32, #tpu.memory_space<hbm>> -> memref<8x128xf32, #tpu.memory_space<hbm>>
      %dma_wait3A_492 = arith.constant 0 : i32
      %dma_wait3A_493 = tpu.memref_slice %arg1[%dma_wait3A_490, %multiple_of3A_489, %dma_wait3A_492] : memref<8x1024x128xf32, #tpu.memory_space<vmem>> -> memref<1x8x128xf32, #tpu.memory_space<vmem>>
      %dma_wait3A_494 = tpu.memref_squeeze %dma_wait3A_493 : memref<1x8x128xf32, #tpu.memory_space<vmem>> -> memref<8x128xf32, #tpu.memory_space<vmem>>
      tpu.wait_dma2 semaphore(%arg4 : memref<!tpu.dma_semaphore, #tpu.memory_space<semaphore_mem>>) src(%dma_wait3A_494 : memref<8x128xf32, #tpu.memory_space<vmem>>) dst(%dma_wait3A_491 : memref<8x128xf32, #tpu.memory_space<hbm>>)
      %mul3A_495 = arith.constant 8 : i32
      %mul3A_496 = arith.muli %scan3A_4, %mul3A_495 : i32
      %add3A_497 = arith.constant 4 : i32
      %add3A_498 = arith.addi %mul3A_496, %add3A_497 : i32
      %get3A_499 = arith.index_cast %add3A_498 : i32 to index
      %get3A_500 = arith.constant 0 : index
      %get3A_501 = memref.load %arg0[%get3A_499, %get3A_500] : memref<1024x1xi32, #tpu.memory_space<smem>>
      %jit3A_502 = arith.constant 128 : i32
      %div3A_503 = arith.divsi %get3A_501, %jit3A_502 : i32
      %sign3A_504 = arith.constant 0 : i32
      %sign3A_505 = arith.cmpi sgt, %get3A_501, %sign3A_504 : i32
      %sign3A_506 = arith.extui %sign3A_505 : i1 to i32
      %sign3A_507 = arith.constant 0 : i32
      %sign3A_508 = arith.cmpi slt, %get3A_501, %sign3A_507 : i32
      %sign3A_509 = arith.extui %sign3A_508 : i1 to i32
      %sign3A_510 = arith.subi %sign3A_506, %sign3A_509 : i32
      %sign3A_511 = arith.constant 0 : i32
      %sign3A_512 = arith.cmpi sgt, %jit3A_502, %sign3A_511 : i32
      %sign3A_513 = arith.extui %sign3A_512 : i1 to i32
      %sign3A_514 = arith.constant 0 : i32
      %sign3A_515 = arith.cmpi slt, %jit3A_502, %sign3A_514 : i32
      %sign3A_516 = arith.extui %sign3A_515 : i1 to i32
      %sign3A_517 = arith.subi %sign3A_513, %sign3A_516 : i32
      %ne3A_518 = arith.cmpi ne, %sign3A_510, %sign3A_517 : i32
      %rem3A_519 = arith.remsi %get3A_501, %jit3A_502 : i32
      %ne3A_520 = arith.constant 0 : i32
      %ne3A_521 = arith.cmpi ne, %rem3A_519, %ne3A_520 : i32
      %and3A_522 = arith.andi %ne3A_518, %ne3A_521 : i1
      %sub3A_523 = arith.constant 1 : i32
      %sub3A_524 = arith.subi %div3A_503, %sub3A_523 : i32
      %select_n3A_525 = arith.select %and3A_522, %sub3A_524, %div3A_503 : i32
      %mul3A_526 = arith.constant 128 : i32
      %mul3A_527 = arith.muli %select_n3A_525, %mul3A_526 : i32
      %multiple_of3A_528 = tpu.assume_multiple %mul3A_527, 128 : i32
      %mul3A_529 = arith.constant 8 : i32
      %mul3A_530 = arith.muli %scan3A_4, %mul3A_529 : i32
      %multiple_of3A_531 = tpu.assume_multiple %mul3A_530, 8 : i32
      %dma_wait3A_532 = arith.constant 4 : i32
      %dma_wait3A_533 = tpu.memref_slice %arg3[%multiple_of3A_531, %multiple_of3A_528] : memref<1024x100000xf32, #tpu.memory_space<hbm>> -> memref<8x128xf32, #tpu.memory_space<hbm>>
      %dma_wait3A_534 = arith.constant 0 : i32
      %dma_wait3A_535 = tpu.memref_slice %arg1[%dma_wait3A_532, %multiple_of3A_531, %dma_wait3A_534] : memref<8x1024x128xf32, #tpu.memory_space<vmem>> -> memref<1x8x128xf32, #tpu.memory_space<vmem>>
      %dma_wait3A_536 = tpu.memref_squeeze %dma_wait3A_535 : memref<1x8x128xf32, #tpu.memory_space<vmem>> -> memref<8x128xf32, #tpu.memory_space<vmem>>
      tpu.wait_dma2 semaphore(%arg4 : memref<!tpu.dma_semaphore, #tpu.memory_space<semaphore_mem>>) src(%dma_wait3A_536 : memref<8x128xf32, #tpu.memory_space<vmem>>) dst(%dma_wait3A_533 : memref<8x128xf32, #tpu.memory_space<hbm>>)
      %mul3A_537 = arith.constant 8 : i32
      %mul3A_538 = arith.muli %scan3A_4, %mul3A_537 : i32
      %add3A_539 = arith.constant 5 : i32
      %add3A_540 = arith.addi %mul3A_538, %add3A_539 : i32
      %get3A_541 = arith.index_cast %add3A_540 : i32 to index
      %get3A_542 = arith.constant 0 : index
      %get3A_543 = memref.load %arg0[%get3A_541, %get3A_542] : memref<1024x1xi32, #tpu.memory_space<smem>>
      %jit3A_544 = arith.constant 128 : i32
      %div3A_545 = arith.divsi %get3A_543, %jit3A_544 : i32
      %sign3A_546 = arith.constant 0 : i32
      %sign3A_547 = arith.cmpi sgt, %get3A_543, %sign3A_546 : i32
      %sign3A_548 = arith.extui %sign3A_547 : i1 to i32
      %sign3A_549 = arith.constant 0 : i32
      %sign3A_550 = arith.cmpi slt, %get3A_543, %sign3A_549 : i32
      %sign3A_551 = arith.extui %sign3A_550 : i1 to i32
      %sign3A_552 = arith.subi %sign3A_548, %sign3A_551 : i32
      %sign3A_553 = arith.constant 0 : i32
      %sign3A_554 = arith.cmpi sgt, %jit3A_544, %sign3A_553 : i32
      %sign3A_555 = arith.extui %sign3A_554 : i1 to i32
      %sign3A_556 = arith.constant 0 : i32
      %sign3A_557 = arith.cmpi slt, %jit3A_544, %sign3A_556 : i32
      %sign3A_558 = arith.extui %sign3A_557 : i1 to i32
      %sign3A_559 = arith.subi %sign3A_555, %sign3A_558 : i32
      %ne3A_560 = arith.cmpi ne, %sign3A_552, %sign3A_559 : i32
      %rem3A_561 = arith.remsi %get3A_543, %jit3A_544 : i32
      %ne3A_562 = arith.constant 0 : i32
      %ne3A_563 = arith.cmpi ne, %rem3A_561, %ne3A_562 : i32
      %and3A_564 = arith.andi %ne3A_560, %ne3A_563 : i1
      %sub3A_565 = arith.constant 1 : i32
      %sub3A_566 = arith.subi %div3A_545, %sub3A_565 : i32
      %select_n3A_567 = arith.select %and3A_564, %sub3A_566, %div3A_545 : i32
      %mul3A_568 = arith.constant 128 : i32
      %mul3A_569 = arith.muli %select_n3A_567, %mul3A_568 : i32
      %multiple_of3A_570 = tpu.assume_multiple %mul3A_569, 128 : i32
      %mul3A_571 = arith.constant 8 : i32
      %mul3A_572 = arith.muli %scan3A_4, %mul3A_571 : i32
      %multiple_of3A_573 = tpu.assume_multiple %mul3A_572, 8 : i32
      %dma_wait3A_574 = arith.constant 5 : i32
      %dma_wait3A_575 = tpu.memref_slice %arg3[%multiple_of3A_573, %multiple_of3A_570] : memref<1024x100000xf32, #tpu.memory_space<hbm>> -> memref<8x128xf32, #tpu.memory_space<hbm>>
      %dma_wait3A_576 = arith.constant 0 : i32
      %dma_wait3A_577 = tpu.memref_slice %arg1[%dma_wait3A_574, %multiple_of3A_573, %dma_wait3A_576] : memref<8x1024x128xf32, #tpu.memory_space<vmem>> -> memref<1x8x128xf32, #tpu.memory_space<vmem>>
      %dma_wait3A_578 = tpu.memref_squeeze %dma_wait3A_577 : memref<1x8x128xf32, #tpu.memory_space<vmem>> -> memref<8x128xf32, #tpu.memory_space<vmem>>
      tpu.wait_dma2 semaphore(%arg4 : memref<!tpu.dma_semaphore, #tpu.memory_space<semaphore_mem>>) src(%dma_wait3A_578 : memref<8x128xf32, #tpu.memory_space<vmem>>) dst(%dma_wait3A_575 : memref<8x128xf32, #tpu.memory_space<hbm>>)
      %mul3A_579 = arith.constant 8 : i32
      %mul3A_580 = arith.muli %scan3A_4, %mul3A_579 : i32
      %add3A_581 = arith.constant 6 : i32
      %add3A_582 = arith.addi %mul3A_580, %add3A_581 : i32
      %get3A_583 = arith.index_cast %add3A_582 : i32 to index
      %get3A_584 = arith.constant 0 : index
      %get3A_585 = memref.load %arg0[%get3A_583, %get3A_584] : memref<1024x1xi32, #tpu.memory_space<smem>>
      %jit3A_586 = arith.constant 128 : i32
      %div3A_587 = arith.divsi %get3A_585, %jit3A_586 : i32
      %sign3A_588 = arith.constant 0 : i32
      %sign3A_589 = arith.cmpi sgt, %get3A_585, %sign3A_588 : i32
      %sign3A_590 = arith.extui %sign3A_589 : i1 to i32
      %sign3A_591 = arith.constant 0 : i32
      %sign3A_592 = arith.cmpi slt, %get3A_585, %sign3A_591 : i32
      %sign3A_593 = arith.extui %sign3A_592 : i1 to i32
      %sign3A_594 = arith.subi %sign3A_590, %sign3A_593 : i32
      %sign3A_595 = arith.constant 0 : i32
      %sign3A_596 = arith.cmpi sgt, %jit3A_586, %sign3A_595 : i32
      %sign3A_597 = arith.extui %sign3A_596 : i1 to i32
      %sign3A_598 = arith.constant 0 : i32
      %sign3A_599 = arith.cmpi slt, %jit3A_586, %sign3A_598 : i32
      %sign3A_600 = arith.extui %sign3A_599 : i1 to i32
      %sign3A_601 = arith.subi %sign3A_597, %sign3A_600 : i32
      %ne3A_602 = arith.cmpi ne, %sign3A_594, %sign3A_601 : i32
      %rem3A_603 = arith.remsi %get3A_585, %jit3A_586 : i32
      %ne3A_604 = arith.constant 0 : i32
      %ne3A_605 = arith.cmpi ne, %rem3A_603, %ne3A_604 : i32
      %and3A_606 = arith.andi %ne3A_602, %ne3A_605 : i1
      %sub3A_607 = arith.constant 1 : i32
      %sub3A_608 = arith.subi %div3A_587, %sub3A_607 : i32
      %select_n3A_609 = arith.select %and3A_606, %sub3A_608, %div3A_587 : i32
      %mul3A_610 = arith.constant 128 : i32
      %mul3A_611 = arith.muli %select_n3A_609, %mul3A_610 : i32
      %multiple_of3A_612 = tpu.assume_multiple %mul3A_611, 128 : i32
      %mul3A_613 = arith.constant 8 : i32
      %mul3A_614 = arith.muli %scan3A_4, %mul3A_613 : i32
      %multiple_of3A_615 = tpu.assume_multiple %mul3A_614, 8 : i32
      %dma_wait3A_616 = arith.constant 6 : i32
      %dma_wait3A_617 = tpu.memref_slice %arg3[%multiple_of3A_615, %multiple_of3A_612] : memref<1024x100000xf32, #tpu.memory_space<hbm>> -> memref<8x128xf32, #tpu.memory_space<hbm>>
      %dma_wait3A_618 = arith.constant 0 : i32
      %dma_wait3A_619 = tpu.memref_slice %arg1[%dma_wait3A_616, %multiple_of3A_615, %dma_wait3A_618] : memref<8x1024x128xf32, #tpu.memory_space<vmem>> -> memref<1x8x128xf32, #tpu.memory_space<vmem>>
      %dma_wait3A_620 = tpu.memref_squeeze %dma_wait3A_619 : memref<1x8x128xf32, #tpu.memory_space<vmem>> -> memref<8x128xf32, #tpu.memory_space<vmem>>
      tpu.wait_dma2 semaphore(%arg4 : memref<!tpu.dma_semaphore, #tpu.memory_space<semaphore_mem>>) src(%dma_wait3A_620 : memref<8x128xf32, #tpu.memory_space<vmem>>) dst(%dma_wait3A_617 : memref<8x128xf32, #tpu.memory_space<hbm>>)
      %mul3A_621 = arith.constant 8 : i32
      %mul3A_622 = arith.muli %scan3A_4, %mul3A_621 : i32
      %add3A_623 = arith.constant 7 : i32
      %add3A_624 = arith.addi %mul3A_622, %add3A_623 : i32
      %get3A_625 = arith.index_cast %add3A_624 : i32 to index
      %get3A_626 = arith.constant 0 : index
      %get3A_627 = memref.load %arg0[%get3A_625, %get3A_626] : memref<1024x1xi32, #tpu.memory_space<smem>>
      %jit3A_628 = arith.constant 128 : i32
      %div3A_629 = arith.divsi %get3A_627, %jit3A_628 : i32
      %sign3A_630 = arith.constant 0 : i32
      %sign3A_631 = arith.cmpi sgt, %get3A_627, %sign3A_630 : i32
      %sign3A_632 = arith.extui %sign3A_631 : i1 to i32
      %sign3A_633 = arith.constant 0 : i32
      %sign3A_634 = arith.cmpi slt, %get3A_627, %sign3A_633 : i32
      %sign3A_635 = arith.extui %sign3A_634 : i1 to i32
      %sign3A_636 = arith.subi %sign3A_632, %sign3A_635 : i32
      %sign3A_637 = arith.constant 0 : i32
      %sign3A_638 = arith.cmpi sgt, %jit3A_628, %sign3A_637 : i32
      %sign3A_639 = arith.extui %sign3A_638 : i1 to i32
      %sign3A_640 = arith.constant 0 : i32
      %sign3A_641 = arith.cmpi slt, %jit3A_628, %sign3A_640 : i32
      %sign3A_642 = arith.extui %sign3A_641 : i1 to i32
      %sign3A_643 = arith.subi %sign3A_639, %sign3A_642 : i32
      %ne3A_644 = arith.cmpi ne, %sign3A_636, %sign3A_643 : i32
      %rem3A_645 = arith.remsi %get3A_627, %jit3A_628 : i32
      %ne3A_646 = arith.constant 0 : i32
      %ne3A_647 = arith.cmpi ne, %rem3A_645, %ne3A_646 : i32
      %and3A_648 = arith.andi %ne3A_644, %ne3A_647 : i1
      %sub3A_649 = arith.constant 1 : i32
      %sub3A_650 = arith.subi %div3A_629, %sub3A_649 : i32
      %select_n3A_651 = arith.select %and3A_648, %sub3A_650, %div3A_629 : i32
      %mul3A_652 = arith.constant 128 : i32
      %mul3A_653 = arith.muli %select_n3A_651, %mul3A_652 : i32
      %multiple_of3A_654 = tpu.assume_multiple %mul3A_653, 128 : i32
      %mul3A_655 = arith.constant 8 : i32
      %mul3A_656 = arith.muli %scan3A_4, %mul3A_655 : i32
      %multiple_of3A_657 = tpu.assume_multiple %mul3A_656, 8 : i32
      %dma_wait3A_658 = arith.constant 7 : i32
      %dma_wait3A_659 = tpu.memref_slice %arg3[%multiple_of3A_657, %multiple_of3A_654] : memref<1024x100000xf32, #tpu.memory_space<hbm>> -> memref<8x128xf32, #tpu.memory_space<hbm>>
      %dma_wait3A_660 = arith.constant 0 : i32
      %dma_wait3A_661 = tpu.memref_slice %arg1[%dma_wait3A_658, %multiple_of3A_657, %dma_wait3A_660] : memref<8x1024x128xf32, #tpu.memory_space<vmem>> -> memref<1x8x128xf32, #tpu.memory_space<vmem>>
      %dma_wait3A_662 = tpu.memref_squeeze %dma_wait3A_661 : memref<1x8x128xf32, #tpu.memory_space<vmem>> -> memref<8x128xf32, #tpu.memory_space<vmem>>
      tpu.wait_dma2 semaphore(%arg4 : memref<!tpu.dma_semaphore, #tpu.memory_space<semaphore_mem>>) src(%dma_wait3A_662 : memref<8x128xf32, #tpu.memory_space<vmem>>) dst(%dma_wait3A_659 : memref<8x128xf32, #tpu.memory_space<hbm>>)
    }
    %scan3A_3 = arith.constant 128 : i32
    return
  }
}

</mosaic_0001>

<sc_bundles>
// kernel: kernel.5.cloned.1.call-start
scs
__scs_entry_jumppad:
0x0: {  	(pc) =	sbr.rel $0x88, $3  }
0x1: {  	(tag) =	ssettag $0x0;
	lr =	simm.s32 $0x1  }
0x2: {  	[smem:$0x3FA0] =	sst lr;
	_ =	strace $0xD0000000  }
0x3: {  	_ = 	snop  }
0x4: {  	_ = 	snop  }
0x5: {  	_ = 	snop  }
0x6: {  	_ = 	snop  }
0x7: {  	_ = 	snop  }
__scs_overlays_trampoline_lowered:
0x8: {  	[smem:$0x3FAF] =	sst s0  }
0x9: {  	[smem:$0x3FB0] =	sst s1  }
0xa: {  	[smem:$0x3FB1] =	sst s2  }
0xb: {  	[smem:$0x3FB2] =	sst s3  }
0xc: {  	[smem:$0x3FB3] =	sst s4  }
0xd: {  	[smem:$0x3FB4] =	sst s5  }
0xe: {  	[smem:$0x3FB5] =	sst s6  }
0xf: {  	[smem:$0x3FB6] =	sst s7  }
0x10: {  	[smem:$0x3FB7] =	sst s8  }
0x11: {  	[smem:$0x3FB8] =	sst s9;
	s0 =	simm.s32 @!p0 $0x0  }
0x12: {  	s1 =	sld [smem:$0x3F9E];
	s0 =	simm.s32 @p0 $0x1  }
0x13: {  	[smem:$0x3FB9] =	sst s0;
	s0 =	simm.s32 @!p1 $0x0  }
0x14: {  	s2 =	sld [smem:$0x3F9D];
	s0 =	simm.s32 @p1 $0x1  }
0x15: {  	[smem:$0x3FBA] =	sst s0;
	s0 =	simm.s32 @!p2 $0x0  }
0x16: {  	s3 =	sld [smem:$0x3FDB];
	s0 =	simm.s32 @p2 $0x1  }
0x17: {  	s4 =	simm.s32 $0x1BF5;
	[smem:$0x3FBC] =	sst s0  }
0x18: {  	s0 =	sld [smem:$0x3F9F];
	_ =	swait.ge [sflag:s4], $0x0  }
0x19: {  	s7 =	sld [smem:$0x3FA0]  }
0x1a: {  	s8 =	sadd.s32 $0xFFFFE003, lr  }
0x1b: {  	s9 =	sadd.s32 $0xFFFFFEF7, lr;
	s5 =	simm.s32 $0xFFFFFFFF;
	p2 =	slt.u32 s8, $0xFFFFF086  }
0x1c: {  	p1 =	slt.u32 s9, $0xF7A;
	s5 =	simm.s32 @!p2 $0x0  }
0x1d: {  	s5 =	simm.s32 @p1 $0x1;
	p0 =	seq.s32 s7, s2  }
0x1e: {  	s7 =	smul.u32 @!p0 $0xF7A, s2;
	p2 =	seq.s32 @!p0 s5, $0x0  }
0x1f: {  	s9 =	smul.u32 $0xF7A, s1;
	s8 =	simm.s32 @!p0 $0x1BF5;
	p2 =	por !p2, p0  }
0x20: {  	[sflag:s8] =	ssyncset.s32 @!p0 $0xFFFFF086;
	s6 =	sadd.s32 @!p0 s3, s7;
	s7 =	simm.s32 @!p0 $0x108  }
0x21: {  	s3 =	sadd.s32 s3, s9;
	s6 =	sadd.s32 @!p0 $0x88, s6;
	s7 =	simm.s32 @p2 $0x1082  }
0x22: {  	[simem:s7], [sflag:s8] =	dma.local @!p0 [hbm:s6], $0xF7A  }
0x23: {  	s9 =	sor.u32 $0xD0000000, s2;
	s6 =	simm.s32 $0x108;
	_ =	swait.ge @!p0 [sflag:s8], $0x0  }
0x24: {  	s3 =	sadd.s32 $0x88, s3;
	s6 =	simm.s32 @!p1 $0x1082;
	[sflag:s4] =	ssyncset.s32 $0xFFFFF086  }
0x25: {  	[simem:s6], [sflag:s4] =	dma.local [hbm:s3], $0xF7A  }
0x26: {  	[smem:$0x3FA0] =	sst s1;
	(tag) =	ssettag s2;
	_ =	strace s9  }
0x27: {  	s1 =	sld [smem:$0x3FB0]  }
0x28: {  	s2 =	sld [smem:$0x3FB1]  }
0x29: {  	s4 =	sld [smem:$0x3FB3]  }
0x2a: {  	p0 =	seq.s32 s5, $0x0;
	s5 =	sld [smem:$0x3FB4]  }
0x2b: {  	s6 =	sld [smem:$0x3FB5]  }
0x2c: {  	s7 =	sld [smem:$0x3FB6]  }
0x2d: {  	s3 =	simm.s32 $0x108;
	s8 =	sld [smem:$0x3FB7]  }
0x2e: {  	s3 =	simm.s32 @!p0 $0x1082;
	s9 =	sld [smem:$0x3FB8]  }
0x2f: {  	lr =	sadd.s32 s0, s3;
	s0 =	sld [smem:$0x3FAF]  }
0x30: {  	s3 =	sld [smem:$0x3FB2]  }
0x31: {  	[smem:$0x3FBB] =	sst s10  }
0x32: {  	s10 =	sld [smem:$0x3FB9];
	_ =	sdelay $0x3  }
0x33: {  	p0 =	seq.s32 s10, $0x1;
	s10 =	sld [smem:$0x3FBB];
	_ =	sdelay $0x3  }
0x34: {  	[smem:$0x3FBB] =	sst s10  }
0x35: {  	s10 =	sld [smem:$0x3FBA];
	_ =	sdelay $0x3  }
0x36: {  	p1 =	seq.s32 s10, $0x1;
	s10 =	sld [smem:$0x3FBB];
	_ =	sdelay $0x3  }
0x37: {  	[smem:$0x3FBB] =	sst s10  }
0x38: {  	s10 =	sld [smem:$0x3FBC]  }
0x39: {  	_ = 	snop;
	(pc) =	sbr.ind lr, $3  }
0x3a: {  	_ = 	snop  }
0x3b: {  	_ = 	snop  }
0x3c: {  	p2 =	seq.s32 s10, $0x1;
	s10 =	sld [smem:$0x3FBB]  }
0x3d: {  	_ =	shalt  }
0x3e: {  	_ =	shalt  }
0x3f: {  	_ =	shalt  }
0x40: {  	_ =	shalt  }
0x41: {  	_ =	shalt  }
0x42: {  	_ =	shalt  }
0x43: {  	_ =	shalt  }
0x44: {  	_ =	shalt  }
0x45: {  	_ =	shalt  }
0x46: {  	_ =	shalt  }
0x47: {  	_ =	shalt  }
0x48: {  	_ =	shalt  }
0x49: {  	_ =	shalt  }
0x4a: {  	_ =	shalt  }
0x4b: {  	_ =	shalt  }
0x4c: {  	_ =	shalt  }
0x4d: {  	_ =	shalt  }
0x4e: {  	_ =	shalt  }
0x4f: {  	_ =	shalt  }
0x50: {  	_ =	shalt  }
0x51: {  	_ =	shalt  }
0x52: {  	_ =	shalt  }
0x53: {  	_ =	shalt  }
0x54: {  	_ =	shalt  }
0x55: {  	_ =	shalt  }
0x56: {  	_ =	shalt  }
0x57: {  	_ =	shalt  }
0x58: {  	_ =	shalt  }
0x59: {  	_ =	shalt  }
0x5a: {  	_ =	shalt  }
0x5b: {  	_ =	shalt  }
0x5c: {  	_ =	shalt  }
0x5d: {  	_ =	shalt  }
0x5e: {  	_ =	shalt  }
0x5f: {  	_ =	shalt  }
0x60: {  	_ =	shalt  }
0x61: {  	_ =	shalt  }
0x62: {  	_ =	shalt  }
0x63: {  	_ =	shalt  }
0x64: {  	_ =	shalt  }
0x65: {  	_ =	shalt  }
0x66: {  	_ =	shalt  }
0x67: {  	_ =	shalt  }
0x68: {  	_ =	shalt  }
0x69: {  	_ =	shalt  }
0x6a: {  	_ =	shalt  }
0x6b: {  	_ =	shalt  }
0x6c: {  	_ =	shalt  }
0x6d: {  	_ =	shalt  }
0x6e: {  	_ =	shalt  }
0x6f: {  	_ =	shalt  }
0x70: {  	_ =	shalt  }
0x71: {  	_ =	shalt  }
0x72: {  	_ =	shalt  }
0x73: {  	_ =	shalt  }
0x74: {  	_ =	shalt  }
0x75: {  	_ =	shalt  }
0x76: {  	_ =	shalt  }
0x77: {  	_ =	shalt  }
0x78: {  	_ =	shalt  }
0x79: {  	_ =	shalt  }
0x7a: {  	_ =	shalt  }
0x7b: {  	_ =	shalt  }
0x7c: {  	_ =	shalt  }
0x7d: {  	_ =	shalt  }
0x7e: {  	_ =	shalt  }
0x7f: {  	_ =	shalt  }
0x80: {  	_ =	shalt  }
0x81: {  	_ =	shalt  }
0x82: {  	_ =	shalt  }
0x83: {  	_ =	shalt  }
0x84: {  	_ =	shalt  }
0x85: {  	_ =	shalt  }
0x86: {  	_ =	shalt  }
0x87: {  	_ =	shalt  }
.Lfunc_end0:
.L_simem_size_0:
called_computation_lowered:
.L_overlay_start_0:
0x88: {  	s2 =	sld [smem:$0x3FD9]  }
0x89: {  	s3 =	sld [smem:$0x3FFE];
	_ =	sdelay $0x1  }
0x8a: {  	s1 =	srdreg.scid  }
0x8b: {  	s0 =	sand.u32 $0x1, s1  }
0x8c: {  	s17 =	sshll.u32 s0, $0xA;
	s2 =	sadd.s32 s3, s2  }
0x8d: {  	s2 =	sadd.s32 s2, s17  }
0x8e: {  	[smem:$0x3FC7] =	sst s2  }
0x8f: {  	_ = 	snop  }
0x90: {  	s2 =	sld [smem:$0x3FD0];
	(tm) =	ssettm $0x1  }
0x91: {  	s18 =	sld [smem:$0x3FFB];
	_ =	sdelay $0x3  }
0x92: {  	_ =	strace s18  }
0x93: {  	s3 =	sld [smem:$0x3FFC];
	_ =	sdelay $0x3  }
0x94: {  	_ =	strace s3  }
0x95: {  	s3 =	sld [smem:$0x3FFD];
	_ =	sdelay $0x3  }
0x96: {  	_ =	strace s3  }
0x97: {  	_ =	strace $0x8FFFFFFF  }
0x98: {  	s19 =	sld [smem:$0x3FDB];
	_ =	sdelay $0x1  }
0x99: {  	s4 =	simm.s32 $_scs_section_size  }
0x9a: {  	s5 =	simm.s32 $_size__tile_overlayer_lowered;
	s6 =	simm.s32 $_tile_overlayer_lowered  }
0x9b: {  	s22 =	simm.s32 $0x1BFF;
	s21 =	sshll.u32 s6, $0x1;
	s3 =	sadd.s32 s4, s19  }
0x9c: {  	s7 =	simm.s32 $0x0;
	s20 =	sshll.u32 s5, $0x1;
	s5 =	sadd.s32 s21, s3  }
0x9d: {  	[timem:s7], [sflag:s22] =	dma.local [hbm:s5], s20  }
0x9e: {  	_ =	swait.ge [sflag:s22], s20  }
0x9f: {  	s4 =	ssub.s32 $0x0, s20;
	[sflag:s22] =	ssyncset.done $0x0  }
0xa0: {  	[sflag:s22] =	ssyncadd.s32 s4;
	_ =	sdelay $0x1  }
0xa1: {  	s23 =	simm.s32 $0x1B8B  }
0xa2: {  	_ =	swait.ge [sflag:s23], $0x1  }
0xa3: {  	[sflag:s23] =	ssyncset.done $0x0  }
0xa4: {  	s25 =	simm.s32 $0x1B8E;
	s24 =	sld [smem:$0x3FFE];
	[sflag:s23] =	ssyncadd.s32 $0xFFFFFFFF  }
0xa5: {  	s26 =	simm.s32 $execute0_lowered;
	[smem:$0x3FD2] =	sst s25  }
0xa6: {  	s5 =	sshll.u32 s26, $0x1;
	_ =	strace $0x80000046;
	[dreg:$0x1] =	wrdreg $0xFFFFFFFF  }
0xa7: {  	s28 =	simm.s32 $_size_execute0_lowered;
	s3 =	sadd.s32 s3, s5;
	[dreg:$0x0] =	wrdreg $0x0  }
0xa8: {  	s5 =	sshll.u32 s28, $0x1;
	[dreg:$0x2] =	wrdreg s3  }
0xa9: {  	[dreg:$0x3] =	wrdreg s5  }
0xaa: {  	[dreg:$0x4] =	wrdreg $0xC0  }
0xab: {  	_ =	task [dreg:s7], $0x5FFFF  }
0xac: {  	[dreg:$0x1] =	wrdreg $0xFFFFFFFF  }
0xad: {  	[dreg:$0x0] =	wrdreg $0x60  }
0xae: {  	[dreg:$0x2] =	wrdreg s2  }
0xaf: {  	[dreg:$0x3] =	wrdreg s24  }
0xb0: {  	[dreg:$0x4] =	wrdreg $0x9  }
0xb1: {  	_ =	task.clear_ibuf [dreg:s7], $0x5FFFF;
	_ =	strace $0x90000046  }
0xb2: {  	s29 =	simm.s32 $0x9;
	_ =	strace $0x80000048  }
0xb3: {  	_ =	swait.ge [sflag:s29], $0x1  }
0xb4: {  	[sflag:s29] =	ssyncadd.s32 $0xFFFFFFFF  }
0xb5: {  	_ =	strace $0x90000048  }
0xb6: {  	_ =	sfence  }
0xb7: {  	s30 =	sld [smem:$0x0];
	_ =	sdelay $0x2  }
0xb8: {  	s31 =	sshll.u32 s1, $0xD;
	s1 =	sshrl.u32 s1, $0x2  }
0xb9: {  	s3 =	sand.u32 $0x4000, s31;
	s1 =	sadd.s32 s1, s30  }
0xba: {  	s0 =	sor.u32 s3, s0;
	s1 =	sshll.u32 s1, $0x11  }
0xbb: {  	s0 =	sor.u32 s1, s0  }
0xbc: {  	s0 =	sadd.s32 $0x8F2B, s0  }
0xbd: {  	[sflag:s0] =	ssyncadd.remote.s32 $0x1  }
0xbe: {  	_ =	sfence.sel $0xFFFF  }
0xbf: {  	[dreg:$0x0] =	wrdreg $0xFFFFFFFF;
	(pc) =	sbr.abs _section_cstart, $3  }
0xc0: {  	[dreg:$0x1] =	wrdreg $0xFFFFFFFF  }
0xc1: {  	_ =	task.clear_ibuf [dreg:s7], $0x2FFFF;
	_ =	strace $0x9FFFFFFF  }
0xc2: {  	(tm) =	ssettm $0x7FFFFFFF  }
0xc3: {  	_ =	shalt  }
tec
execute0_lowered:
.L_overlay_start_1:
0x0: {  	(tag) =	ssettag $0x1  }
0x1: {  	s0 =	srdreg.scid  }
0x2: {  	s2 =	stileid.u32;
	s0 =	sand.u32 $0x1, s0  }
0x3: {  	s2 =	sshll.u32 s2, $0x3;
	s3 =	sshll.u32 s0, $0x2  }
0x4: {  	s1 =	rddreg [dreg:$0x0];
	s19 =	sor.u32 s3, s2  }
0x5: {  	s20 =	rddreg [dreg:$0x1];
	s4 =	smul.u32 $0x18700, s19  }
0x6: {  	p0 =	por $0x0, $0x0;
	s31 =	simm.s32 $0x2;
	s12 =	simm.s32 $0x80  }
0x7: {  	[dreg:$0x3] =	wrdreg s1;
	s2 =	simm.s32 $0x0;
	s30 =	sadd.s32 s20, s4  }
0x8: {  	s0 =	ssub.s32 $0x2, s0;
	[smem:$0x7FF] =	sst s2;
	s4 =	sadd.s32 $0x10, s30  }
0x9: {  	_ =	strace $0x80000047;
	s21 =	sadd.s32 $0x20, s30;
	[dreg:$0x4] =	wrdreg s4  }
0xa: {  	s5 =	sshrl.u32 s0, $0x1;
	s22 =	sadd.s32 $0x30, s30;
	[dreg:$0x5] =	wrdreg s21  }
0xb: {  	s1 =	smul.u32 $0xC3800, s19;
	s23 =	sadd.s32 $0x40, s30;
	[dreg:$0x6] =	wrdreg s22  }
0xc: {  	s0 =	ssub.s32 s0, s5;
	s24 =	sadd.s32 $0x50, s30;
	[dreg:$0x7] =	wrdreg s23  }
0xd: {  	s0 =	smax.u32 s0, $0x1;
	s25 =	sadd.s32 $0x60, s30;
	[dreg:$0x8] =	wrdreg s24  }
0xe: {  	s1 =	sshrl.u32 s1, $0x3;
	s26 =	sadd.s32 $0x70, s30;
	[dreg:$0x9] =	wrdreg s25  }
0xf: {  	p1 =	sne.s32 s0, $0x1;
	s1 =	sadd.s32 s20, s1;
	[dreg:$0xa] =	wrdreg s26  }
0x10: {  	s3 =	sadd.s32 $0x18700, s1;
	s22 =	sadd.s32 $0x18710, s1;
	s23 =	sadd.s32 $0x18720, s1  }
0x11: {  	s24 =	sadd.s32 $0x18730, s1;
	s25 =	sadd.s32 $0x18740, s1;
	s26 =	sadd.s32 $0x18750, s1  }
0x12: {  	s28 =	sadd.s32 $0x18760, s1;
	s29 =	sadd.s32 $0x18770, s1;
	s14 =	sadd.s32 $0x30E00, s1  }
0x13: {  	s15 =	sadd.s32 $0x30E10, s1;
	s16 =	sadd.s32 $0x30E20, s1;
	s17 =	sadd.s32 $0x30E30, s1  }
0x14: {  	s18 =	sadd.s32 $0x30E40, s1;
	s19 =	sadd.s32 $0x30E50, s1;
	s20 =	sadd.s32 $0x30E60, s1  }
.Ltmp0:
0x15: {  	s21 =	sadd.s32 $0x30E70, s1;
	s4 =	sadd.s32 $0x49500, s1;
	(pc) =	sbr.rel @!p1 .LBB2_3-.Ltmp0, $4  }
0x16: {  	s5 =	sadd.s32 $0x49510, s1;
	s6 =	sadd.s32 $0x49520, s1;
	s7 =	sadd.s32 $0x49530, s1  }
0x17: {  	s8 =	sadd.s32 $0x49540, s1;
	s9 =	sadd.s32 $0x49550, s1;
	s10 =	sadd.s32 $0x49560, s1  }
0x18: {  	s11 =	sadd.s32 $0x49570, s1;
	s1 =	sadd.s32 $0xFFFFFFFF, s0;
	s0 =	rddreg [dreg:$0x3]  }
0x19: {  	s13 =	simm.s32 $0x400;
	[dreg:$0xb] =	wrdreg s3;
	s3 =	simm.s32 $0x1  }
0x1a: {  	[tilespmem:s2], [sflag:$0x2] =	stream.linear.gather [hbm4b:s0+s2], $0x18700, $0x38;
	[tilespmem:$0x18700] =	vst v63  }
0x1b: {  	_ =	swait.ge [sflag:s31], $0x18700  }
0x1c: {  	[sflag:s31] =	ssyncset.done $0x0  }
0x1d: {  	[dreg:$0xc] =	wrdreg s1;
	[sflag:s31] =	ssyncadd.s32 $0xFFFE7900  }
0x1e: {  	[hbm4b:s30+s12] =	stream.strided.scatter [tilespmem:s2], [sflag:$0x1], $0x18700, s13, s12, $0x38;
	[tilespmem:$0x18700] =	vst v63  }
0x1f: {  	s0 =	rddreg [dreg:$0x4]  }
0x20: {  	[hbm4b:s0+s12] =	stream.strided.scatter [tilespmem:s2], [sflag:$0x1], $0x18700, s13, s12, $0x38;
	[tilespmem:$0x18700] =	vst v63  }
0x21: {  	s1 =	rddreg [dreg:$0x5]  }
0x22: {  	[hbm4b:s1+s12] =	stream.strided.scatter [tilespmem:s2], [sflag:$0x1], $0x18700, s13, s12, $0x38;
	[tilespmem:$0x18700] =	vst v63  }
0x23: {  	s0 =	rddreg [dreg:$0x6]  }
0x24: {  	[hbm4b:s0+s12] =	stream.strided.scatter [tilespmem:s2], [sflag:$0x1], $0x18700, s13, s12, $0x38;
	[tilespmem:$0x18700] =	vst v63  }
0x25: {  	s1 =	rddreg [dreg:$0x7]  }
0x26: {  	[hbm4b:s1+s12] =	stream.strided.scatter [tilespmem:s2], [sflag:$0x1], $0x18700, s13, s12, $0x38;
	[tilespmem:$0x18700] =	vst v63  }
0x27: {  	s0 =	rddreg [dreg:$0x8]  }
0x28: {  	[hbm4b:s0+s12] =	stream.strided.scatter [tilespmem:s2], [sflag:$0x1], $0x18700, s13, s12, $0x38;
	[tilespmem:$0x18700] =	vst v63  }
0x29: {  	s1 =	rddreg [dreg:$0x9]  }
0x2a: {  	[hbm4b:s1+s12] =	stream.strided.scatter [tilespmem:s2], [sflag:$0x1], $0x18700, s13, s12, $0x38;
	[tilespmem:$0x18700] =	vst v63  }
0x2b: {  	s0 =	rddreg [dreg:$0xa]  }
0x2c: {  	[hbm4b:s0+s12] =	stream.strided.scatter [tilespmem:s2], [sflag:$0x1], $0x18700, s13, s12, $0x38;
	[tilespmem:$0x18700] =	vst v63  }
0x2d: {  	_ =	swait.ge [sflag:s3], $0x18700  }
0x2e: {  	[sflag:s3] =	ssyncset.done $0x0  }
0x2f: {  	[sflag:s3] =	ssyncadd.s32 $0xFFFE7900  }
0x30: {  	_ =	swait.ge [sflag:s3], $0x18700  }
0x31: {  	[sflag:s3] =	ssyncset.done $0x0  }
0x32: {  	[sflag:s3] =	ssyncadd.s32 $0xFFFE7900  }
0x33: {  	_ =	swait.ge [sflag:s3], $0x18700  }
0x34: {  	[sflag:s3] =	ssyncset.done $0x0  }
0x35: {  	[sflag:s3] =	ssyncadd.s32 $0xFFFE7900  }
0x36: {  	_ =	swait.ge [sflag:s3], $0x18700  }
0x37: {  	[sflag:s3] =	ssyncset.done $0x0  }
0x38: {  	[sflag:s3] =	ssyncadd.s32 $0xFFFE7900  }
0x39: {  	_ =	swait.ge [sflag:s3], $0x18700  }
0x3a: {  	[sflag:s3] =	ssyncset.done $0x0  }
0x3b: {  	[sflag:s3] =	ssyncadd.s32 $0xFFFE7900  }
0x3c: {  	_ =	swait.ge [sflag:s3], $0x18700  }
0x3d: {  	[sflag:s3] =	ssyncset.done $0x0  }
0x3e: {  	[sflag:s3] =	ssyncadd.s32 $0xFFFE7900  }
0x3f: {  	_ =	swait.ge [sflag:s3], $0x18700  }
0x40: {  	[sflag:s3] =	ssyncset.done $0x0  }
0x41: {  	[sflag:s3] =	ssyncadd.s32 $0xFFFE7900  }
0x42: {  	_ =	swait.ge [sflag:s3], $0x18700  }
0x43: {  	[sflag:s3] =	ssyncset.done $0x0  }
0x44: {  	s1 =	rddreg [dreg:$0xb];
	[sflag:s3] =	ssyncadd.s32 $0xFFFE7900  }
0x45: {  	[hbm4b:s1+s12] =	stream.strided.scatter [tilespmem:s2], [sflag:$0x1], $0x18700, s13, s12, $0x38;
	[tilespmem:$0x18700] =	vst v63  }
0x46: {  	_ = 	snop  }
0x47: {  	[hbm4b:s22+s12] =	stream.strided.scatter [tilespmem:s2], [sflag:$0x1], $0x18700, s13, s12, $0x38;
	[tilespmem:$0x18700] =	vst v63  }
0x48: {  	_ = 	snop  }
0x49: {  	[hbm4b:s23+s12] =	stream.strided.scatter [tilespmem:s2], [sflag:$0x1], $0x18700, s13, s12, $0x38;
	[tilespmem:$0x18700] =	vst v63  }
0x4a: {  	_ = 	snop  }
0x4b: {  	[hbm4b:s24+s12] =	stream.strided.scatter [tilespmem:s2], [sflag:$0x1], $0x18700, s13, s12, $0x38;
	[tilespmem:$0x18700] =	vst v63  }
0x4c: {  	_ = 	snop  }
0x4d: {  	[hbm4b:s25+s12] =	stream.strided.scatter [tilespmem:s2], [sflag:$0x1], $0x18700, s13, s12, $0x38;
	[tilespmem:$0x18700] =	vst v63  }
0x4e: {  	_ = 	snop  }
0x4f: {  	[hbm4b:s26+s12] =	stream.strided.scatter [tilespmem:s2], [sflag:$0x1], $0x18700, s13, s12, $0x38;
	[tilespmem:$0x18700] =	vst v63  }
0x50: {  	_ = 	snop  }
0x51: {  	[hbm4b:s28+s12] =	stream.strided.scatter [tilespmem:s2], [sflag:$0x1], $0x18700, s13, s12, $0x38;
	[tilespmem:$0x18700] =	vst v63  }
0x52: {  	_ = 	snop  }
0x53: {  	[hbm4b:s29+s12] =	stream.strided.scatter [tilespmem:s2], [sflag:$0x1], $0x18700, s13, s12, $0x38;
	[tilespmem:$0x18700] =	vst v63  }
0x54: {  	_ =	swait.ge [sflag:s3], $0x18700  }
0x55: {  	[sflag:s3] =	ssyncset.done $0x0  }
0x56: {  	[sflag:s3] =	ssyncadd.s32 $0xFFFE7900  }
0x57: {  	_ =	swait.ge [sflag:s3], $0x18700  }
0x58: {  	[sflag:s3] =	ssyncset.done $0x0  }
0x59: {  	[sflag:s3] =	ssyncadd.s32 $0xFFFE7900  }
0x5a: {  	_ =	swait.ge [sflag:s3], $0x18700  }
0x5b: {  	[sflag:s3] =	ssyncset.done $0x0  }
0x5c: {  	[sflag:s3] =	ssyncadd.s32 $0xFFFE7900  }
0x5d: {  	_ =	swait.ge [sflag:s3], $0x18700  }
0x5e: {  	[sflag:s3] =	ssyncset.done $0x0  }
0x5f: {  	[sflag:s3] =	ssyncadd.s32 $0xFFFE7900  }
0x60: {  	_ =	swait.ge [sflag:s3], $0x18700  }
0x61: {  	[sflag:s3] =	ssyncset.done $0x0  }
0x62: {  	[sflag:s3] =	ssyncadd.s32 $0xFFFE7900  }
0x63: {  	_ =	swait.ge [sflag:s3], $0x18700  }
0x64: {  	[sflag:s3] =	ssyncset.done $0x0  }
0x65: {  	[sflag:s3] =	ssyncadd.s32 $0xFFFE7900  }
0x66: {  	_ =	swait.ge [sflag:s3], $0x18700  }
0x67: {  	[sflag:s3] =	ssyncset.done $0x0  }
0x68: {  	[sflag:s3] =	ssyncadd.s32 $0xFFFE7900  }
0x69: {  	_ =	swait.ge [sflag:s3], $0x18700  }
0x6a: {  	[sflag:s3] =	ssyncset.done $0x0  }
0x6b: {  	[sflag:s3] =	ssyncadd.s32 $0xFFFE7900  }
0x6c: {  	[hbm4b:s14+s12] =	stream.strided.scatter [tilespmem:s2], [sflag:$0x1], $0x18700, s13, s12, $0x38;
	[tilespmem:$0x18700] =	vst v63  }
0x6d: {  	_ = 	snop  }
0x6e: {  	[hbm4b:s15+s12] =	stream.strided.scatter [tilespmem:s2], [sflag:$0x1], $0x18700, s13, s12, $0x38;
	[tilespmem:$0x18700] =	vst v63  }
0x6f: {  	_ = 	snop  }
0x70: {  	[hbm4b:s16+s12] =	stream.strided.scatter [tilespmem:s2], [sflag:$0x1], $0x18700, s13, s12, $0x38;
	[tilespmem:$0x18700] =	vst v63  }
0x71: {  	_ = 	snop  }
0x72: {  	[hbm4b:s17+s12] =	stream.strided.scatter [tilespmem:s2], [sflag:$0x1], $0x18700, s13, s12, $0x38;
	[tilespmem:$0x18700] =	vst v63  }
0x73: {  	_ = 	snop  }
0x74: {  	[hbm4b:s18+s12] =	stream.strided.scatter [tilespmem:s2], [sflag:$0x1], $0x18700, s13, s12, $0x38;
	[tilespmem:$0x18700] =	vst v63  }
0x75: {  	_ = 	snop  }
0x76: {  	[hbm4b:s19+s12] =	stream.strided.scatter [tilespmem:s2], [sflag:$0x1], $0x18700, s13, s12, $0x38;
	[tilespmem:$0x18700] =	vst v63  }
0x77: {  	_ = 	snop  }
0x78: {  	[hbm4b:s20+s12] =	stream.strided.scatter [tilespmem:s2], [sflag:$0x1], $0x18700, s13, s12, $0x38;
	[tilespmem:$0x18700] =	vst v63  }
0x79: {  	_ = 	snop  }
0x7a: {  	[hbm4b:s21+s12] =	stream.strided.scatter [tilespmem:s2], [sflag:$0x1], $0x18700, s13, s12, $0x38;
	[tilespmem:$0x18700] =	vst v63  }
0x7b: {  	_ =	swait.ge [sflag:s3], $0x18700  }
0x7c: {  	[sflag:s3] =	ssyncset.done $0x0  }
0x7d: {  	[sflag:s3] =	ssyncadd.s32 $0xFFFE7900  }
0x7e: {  	_ =	swait.ge [sflag:s3], $0x18700  }
0x7f: {  	[sflag:s3] =	ssyncset.done $0x0  }
0x80: {  	[sflag:s3] =	ssyncadd.s32 $0xFFFE7900  }
0x81: {  	_ =	swait.ge [sflag:s3], $0x18700  }
0x82: {  	[sflag:s3] =	ssyncset.done $0x0  }
0x83: {  	[sflag:s3] =	ssyncadd.s32 $0xFFFE7900  }
0x84: {  	_ =	swait.ge [sflag:s3], $0x18700  }
0x85: {  	[sflag:s3] =	ssyncset.done $0x0  }
0x86: {  	[sflag:s3] =	ssyncadd.s32 $0xFFFE7900  }
0x87: {  	_ =	swait.ge [sflag:s3], $0x18700  }
0x88: {  	[sflag:s3] =	ssyncset.done $0x0  }
0x89: {  	[sflag:s3] =	ssyncadd.s32 $0xFFFE7900  }
0x8a: {  	_ =	swait.ge [sflag:s3], $0x18700  }
0x8b: {  	[sflag:s3] =	ssyncset.done $0x0  }
0x8c: {  	[sflag:s3] =	ssyncadd.s32 $0xFFFE7900  }
0x8d: {  	_ =	swait.ge [sflag:s3], $0x18700  }
0x8e: {  	[sflag:s3] =	ssyncset.done $0x0  }
0x8f: {  	[sflag:s3] =	ssyncadd.s32 $0xFFFE7900  }
0x90: {  	_ =	swait.ge [sflag:s3], $0x18700  }
0x91: {  	[sflag:s3] =	ssyncset.done $0x0  }
0x92: {  	[sflag:s3] =	ssyncadd.s32 $0xFFFE7900  }
0x93: {  	[hbm4b:s4+s12] =	stream.strided.scatter [tilespmem:s2], [sflag:$0x1], $0x18700, s13, s12, $0x38;
	[tilespmem:$0x18700] =	vst v63  }
0x94: {  	_ = 	snop  }
0x95: {  	[hbm4b:s5+s12] =	stream.strided.scatter [tilespmem:s2], [sflag:$0x1], $0x18700, s13, s12, $0x38;
	[tilespmem:$0x18700] =	vst v63  }
0x96: {  	_ = 	snop  }
0x97: {  	[hbm4b:s6+s12] =	stream.strided.scatter [tilespmem:s2], [sflag:$0x1], $0x18700, s13, s12, $0x38;
	[tilespmem:$0x18700] =	vst v63  }
0x98: {  	_ = 	snop  }
0x99: {  	[hbm4b:s7+s12] =	stream.strided.scatter [tilespmem:s2], [sflag:$0x1], $0x18700, s13, s12, $0x38;
	[tilespmem:$0x18700] =	vst v63  }
0x9a: {  	_ = 	snop  }
0x9b: {  	[hbm4b:s8+s12] =	stream.strided.scatter [tilespmem:s2], [sflag:$0x1], $0x18700, s13, s12, $0x38;
	[tilespmem:$0x18700] =	vst v63  }
0x9c: {  	_ = 	snop  }
0x9d: {  	[hbm4b:s9+s12] =	stream.strided.scatter [tilespmem:s2], [sflag:$0x1], $0x18700, s13, s12, $0x38;
	[tilespmem:$0x18700] =	vst v63  }
0x9e: {  	_ = 	snop  }
0x9f: {  	[hbm4b:s10+s12] =	stream.strided.scatter [tilespmem:s2], [sflag:$0x1], $0x18700, s13, s12, $0x38;
	[tilespmem:$0x18700] =	vst v63  }
0xa0: {  	_ = 	snop  }
0xa1: {  	[hbm4b:s11+s12] =	stream.strided.scatter [tilespmem:s2], [sflag:$0x1], $0x18700, s13, s12, $0x38;
	[tilespmem:$0x18700] =	vst v63  }
0xa2: {  	_ =	swait.ge [sflag:s3], $0x18700  }
0xa3: {  	[sflag:s3] =	ssyncset.done $0x0  }
0xa4: {  	[sflag:s3] =	ssyncadd.s32 $0xFFFE7900  }
0xa5: {  	_ =	swait.ge [sflag:s3], $0x18700  }
0xa6: {  	[sflag:s3] =	ssyncset.done $0x0  }
0xa7: {  	[sflag:s3] =	ssyncadd.s32 $0xFFFE7900  }
0xa8: {  	_ =	swait.ge [sflag:s3], $0x18700  }
0xa9: {  	[sflag:s3] =	ssyncset.done $0x0  }
0xaa: {  	[sflag:s3] =	ssyncadd.s32 $0xFFFE7900  }
0xab: {  	_ =	swait.ge [sflag:s3], $0x18700  }
0xac: {  	[sflag:s3] =	ssyncset.done $0x0  }
0xad: {  	[sflag:s3] =	ssyncadd.s32 $0xFFFE7900  }
0xae: {  	_ =	swait.ge [sflag:s3], $0x18700  }
0xaf: {  	[sflag:s3] =	ssyncset.done $0x0  }
0xb0: {  	[sflag:s3] =	ssyncadd.s32 $0xFFFE7900  }
0xb1: {  	_ =	swait.ge [sflag:s3], $0x18700  }
0xb2: {  	[sflag:s3] =	ssyncset.done $0x0  }
0xb3: {  	[sflag:s3] =	ssyncadd.s32 $0xFFFE7900  }
0xb4: {  	_ =	swait.ge [sflag:s3], $0x18700  }
0xb5: {  	s1 =	rddreg [dreg:$0xc]  }
0xb6: {  	p1 =	sne.s32 s1, $0x1  }
.Ltmp1:
0xb7: {  	_ = 	snop;
	(pc) =	sbr.rel @!p1 .LBB2_3-.Ltmp1, $4  }
0xb8: {  	[sflag:s3] =	ssyncset.done $0x0  }
0xb9: {  	[sflag:s3] =	ssyncadd.s32 $0xFFFE7900  }
0xba: {  	p0 =	por $0x1, $0x1;
	_ =	swait.ge [sflag:s3], $0x18700  }
0xbb: {  	s1 =	sadd.s32 $0xFFFFFFFF, s1;
	s0 =	rddreg [dreg:$0x3];
	[sflag:s3] =	ssyncset.done $0x0  }
.LBB2_2:
0xbc: {  	[sflag:s3] =	ssyncadd.s32 $0xFFFE7900  }
0xbd: {  	[tilespmem:s2], [sflag:$0x2] =	stream.linear.gather [hbm4b:s0+s2], $0x18700, $0x38;
	[tilespmem:$0x18700] =	vst v63  }
0xbe: {  	_ =	swait.ge [sflag:s31], $0x18700  }
0xbf: {  	[sflag:s31] =	ssyncset.done $0x0  }
0xc0: {  	s0 =	rddreg [dreg:$0x4];
	[sflag:s31] =	ssyncadd.s32 $0xFFFE7900;
	s31 =	smov.u32 s30  }
0xc1: {  	[hbm4b:s30+s12] =	stream.strided.scatter [tilespmem:s2], [sflag:$0x1], $0x18700, s13, s12, $0x38;
	[tilespmem:$0x18700] =	vst v63  }
0xc2: {  	s30 =	smov.u32 s29;
	s29 =	smov.u32 s28;
	s28 =	smov.u32 s26  }
0xc3: {  	s26 =	smov.u32 s25;
	s25 =	smov.u32 s24;
	s24 =	smov.u32 s23  }
0xc4: {  	s23 =	smov.u32 s22;
	s22 =	smov.u32 s21;
	s21 =	smov.u32 s20  }
0xc5: {  	s20 =	smov.u32 s19;
	s19 =	smov.u32 s18;
	s18 =	smov.u32 s17  }
0xc6: {  	s17 =	smov.u32 s16;
	s16 =	smov.u32 s15;
	s15 =	smov.u32 s14  }
0xc7: {  	s14 =	smov.u32 s11;
	s11 =	smov.u32 s10;
	s10 =	smov.u32 s9  }
0xc8: {  	s9 =	smov.u32 s8;
	s8 =	smov.u32 s7;
	s7 =	smov.u32 s6  }
0xc9: {  	[hbm4b:s0+s12] =	stream.strided.scatter [tilespmem:s2], [sflag:$0x1], $0x18700, s13, s12, $0x38;
	[tilespmem:$0x18700] =	vst v63  }
0xca: {  	s6 =	smov.u32 s5;
	s5 =	smov.u32 s4;
	s4 =	rddreg [dreg:$0x5]  }
0xcb: {  	[hbm4b:s4+s12] =	stream.strided.scatter [tilespmem:s2], [sflag:$0x1], $0x18700, s13, s12, $0x38;
	[tilespmem:$0x18700] =	vst v63  }
0xcc: {  	s0 =	rddreg [dreg:$0x6]  }
0xcd: {  	[hbm4b:s0+s12] =	stream.strided.scatter [tilespmem:s2], [sflag:$0x1], $0x18700, s13, s12, $0x38;
	[tilespmem:$0x18700] =	vst v63  }
0xce: {  	s4 =	rddreg [dreg:$0x7]  }
0xcf: {  	[hbm4b:s4+s12] =	stream.strided.scatter [tilespmem:s2], [sflag:$0x1], $0x18700, s13, s12, $0x38;
	[tilespmem:$0x18700] =	vst v63  }
0xd0: {  	s0 =	rddreg [dreg:$0x8]  }
0xd1: {  	[hbm4b:s0+s12] =	stream.strided.scatter [tilespmem:s2], [sflag:$0x1], $0x18700, s13, s12, $0x38;
	[tilespmem:$0x18700] =	vst v63  }
0xd2: {  	s4 =	rddreg [dreg:$0x9]  }
0xd3: {  	[hbm4b:s4+s12] =	stream.strided.scatter [tilespmem:s2], [sflag:$0x1], $0x18700, s13, s12, $0x38;
	[tilespmem:$0x18700] =	vst v63  }
0xd4: {  	s0 =	rddreg [dreg:$0xa]  }
0xd5: {  	[hbm4b:s0+s12] =	stream.strided.scatter [tilespmem:s2], [sflag:$0x1], $0x18700, s13, s12, $0x38;
	[tilespmem:$0x18700] =	vst v63  }
0xd6: {  	_ =	swait.ge [sflag:s3], $0x18700  }
0xd7: {  	[sflag:s3] =	ssyncset.done $0x0  }
0xd8: {  	[sflag:s3] =	ssyncadd.s32 $0xFFFE7900  }
0xd9: {  	_ =	swait.ge [sflag:s3], $0x18700  }
0xda: {  	[sflag:s3] =	ssyncset.done $0x0  }
0xdb: {  	[sflag:s3] =	ssyncadd.s32 $0xFFFE7900  }
0xdc: {  	_ =	swait.ge [sflag:s3], $0x18700  }
0xdd: {  	[sflag:s3] =	ssyncset.done $0x0  }
0xde: {  	[sflag:s3] =	ssyncadd.s32 $0xFFFE7900  }
0xdf: {  	_ =	swait.ge [sflag:s3], $0x18700  }
0xe0: {  	[sflag:s3] =	ssyncset.done $0x0  }
0xe1: {  	[sflag:s3] =	ssyncadd.s32 $0xFFFE7900  }
0xe2: {  	_ =	swait.ge [sflag:s3], $0x18700  }
0xe3: {  	[sflag:s3] =	ssyncset.done $0x0  }
0xe4: {  	[sflag:s3] =	ssyncadd.s32 $0xFFFE7900  }
0xe5: {  	_ =	swait.ge [sflag:s3], $0x18700  }
0xe6: {  	s4 =	smov.u32 s5;
	[sflag:s3] =	ssyncset.done $0x0  }
0xe7: {  	s5 =	smov.u32 s6;
	s6 =	smov.u32 s7;
	[sflag:s3] =	ssyncadd.s32 $0xFFFE7900  }
0xe8: {  	s7 =	smov.u32 s8;
	s8 =	smov.u32 s9;
	_ =	swait.ge [sflag:s3], $0x18700  }
0xe9: {  	s9 =	smov.u32 s10;
	s10 =	smov.u32 s11;
	[sflag:s3] =	ssyncset.done $0x0  }
0xea: {  	s11 =	smov.u32 s14;
	s14 =	smov.u32 s15;
	[sflag:s3] =	ssyncadd.s32 $0xFFFE7900  }
0xeb: {  	s15 =	smov.u32 s16;
	s16 =	smov.u32 s17;
	_ =	swait.ge [sflag:s3], $0x18700  }
0xec: {  	s17 =	smov.u32 s18;
	s18 =	smov.u32 s19;
	[sflag:s3] =	ssyncset.done $0x0  }
0xed: {  	s19 =	smov.u32 s20;
	s0 =	rddreg [dreg:$0xb];
	[sflag:s3] =	ssyncadd.s32 $0xFFFE7900  }
0xee: {  	[hbm4b:s0+s12] =	stream.strided.scatter [tilespmem:s2], [sflag:$0x1], $0x18700, s13, s12, $0x38;
	[tilespmem:$0x18700] =	vst v63  }
0xef: {  	s20 =	smov.u32 s21;
	s21 =	smov.u32 s22;
	s22 =	smov.u32 s23  }
0xf0: {  	[hbm4b:s22+s12] =	stream.strided.scatter [tilespmem:s2], [sflag:$0x1], $0x18700, s13, s12, $0x38;
	[tilespmem:$0x18700] =	vst v63  }
0xf1: {  	s23 =	smov.u32 s24  }
0xf2: {  	[hbm4b:s23+s12] =	stream.strided.scatter [tilespmem:s2], [sflag:$0x1], $0x18700, s13, s12, $0x38;
	[tilespmem:$0x18700] =	vst v63  }
0xf3: {  	s24 =	smov.u32 s25  }
0xf4: {  	[hbm4b:s24+s12] =	stream.strided.scatter [tilespmem:s2], [sflag:$0x1], $0x18700, s13, s12, $0x38;
	[tilespmem:$0x18700] =	vst v63  }
0xf5: {  	s25 =	smov.u32 s26  }
0xf6: {  	[hbm4b:s25+s12] =	stream.strided.scatter [tilespmem:s2], [sflag:$0x1], $0x18700, s13, s12, $0x38;
	[tilespmem:$0x18700] =	vst v63  }
0xf7: {  	s26 =	smov.u32 s28  }
0xf8: {  	[hbm4b:s26+s12] =	stream.strided.scatter [tilespmem:s2], [sflag:$0x1], $0x18700, s13, s12, $0x38;
	[tilespmem:$0x18700] =	vst v63  }
0xf9: {  	s28 =	smov.u32 s29  }
0xfa: {  	[hbm4b:s28+s12] =	stream.strided.scatter [tilespmem:s2], [sflag:$0x1], $0x18700, s13, s12, $0x38;
	[tilespmem:$0x18700] =	vst v63  }
0xfb: {  	s29 =	smov.u32 s30  }
0xfc: {  	[hbm4b:s29+s12] =	stream.strided.scatter [tilespmem:s2], [sflag:$0x1], $0x18700, s13, s12, $0x38;
	[tilespmem:$0x18700] =	vst v63  }
0xfd: {  	_ =	swait.ge [sflag:s3], $0x18700  }
0xfe: {  	[sflag:s3] =	ssyncset.done $0x0  }
0xff: {  	[sflag:s3] =	ssyncadd.s32 $0xFFFE7900  }
0x100: {  	_ =	swait.ge [sflag:s3], $0x18700  }
0x101: {  	[sflag:s3] =	ssyncset.done $0x0  }
0x102: {  	[sflag:s3] =	ssyncadd.s32 $0xFFFE7900  }
0x103: {  	_ =	swait.ge [sflag:s3], $0x18700  }
0x104: {  	[sflag:s3] =	ssyncset.done $0x0  }
0x105: {  	[sflag:s3] =	ssyncadd.s32 $0xFFFE7900  }
0x106: {  	_ =	swait.ge [sflag:s3], $0x18700  }
0x107: {  	[sflag:s3] =	ssyncset.done $0x0  }
0x108: {  	[sflag:s3] =	ssyncadd.s32 $0xFFFE7900  }
0x109: {  	_ =	swait.ge [sflag:s3], $0x18700  }
0x10a: {  	[sflag:s3] =	ssyncset.done $0x0  }
0x10b: {  	[sflag:s3] =	ssyncadd.s32 $0xFFFE7900  }
0x10c: {  	_ =	swait.ge [sflag:s3], $0x18700  }
0x10d: {  	[sflag:s3] =	ssyncset.done $0x0  }
0x10e: {  	[sflag:s3] =	ssyncadd.s32 $0xFFFE7900  }
0x10f: {  	_ =	swait.ge [sflag:s3], $0x18700  }
0x110: {  	[sflag:s3] =	ssyncset.done $0x0  }
0x111: {  	[sflag:s3] =	ssyncadd.s32 $0xFFFE7900  }
0x112: {  	_ =	swait.ge [sflag:s3], $0x18700  }
0x113: {  	[sflag:s3] =	ssyncset.done $0x0  }
0x114: {  	[sflag:s3] =	ssyncadd.s32 $0xFFFE7900  }
0x115: {  	[hbm4b:s14+s12] =	stream.strided.scatter [tilespmem:s2], [sflag:$0x1], $0x18700, s13, s12, $0x38;
	[tilespmem:$0x18700] =	vst v63  }
0x116: {  	_ = 	snop  }
0x117: {  	[hbm4b:s15+s12] =	stream.strided.scatter [tilespmem:s2], [sflag:$0x1], $0x18700, s13, s12, $0x38;
	[tilespmem:$0x18700] =	vst v63  }
0x118: {  	_ = 	snop  }
0x119: {  	[hbm4b:s16+s12] =	stream.strided.scatter [tilespmem:s2], [sflag:$0x1], $0x18700, s13, s12, $0x38;
	[tilespmem:$0x18700] =	vst v63  }
0x11a: {  	_ = 	snop  }
0x11b: {  	[hbm4b:s17+s12] =	stream.strided.scatter [tilespmem:s2], [sflag:$0x1], $0x18700, s13, s12, $0x38;
	[tilespmem:$0x18700] =	vst v63  }
0x11c: {  	_ = 	snop  }
0x11d: {  	[hbm4b:s18+s12] =	stream.strided.scatter [tilespmem:s2], [sflag:$0x1], $0x18700, s13, s12, $0x38;
	[tilespmem:$0x18700] =	vst v63  }
0x11e: {  	_ = 	snop  }
0x11f: {  	[hbm4b:s19+s12] =	stream.strided.scatter [tilespmem:s2], [sflag:$0x1], $0x18700, s13, s12, $0x38;
	[tilespmem:$0x18700] =	vst v63  }
0x120: {  	_ = 	snop  }
0x121: {  	[hbm4b:s20+s12] =	stream.strided.scatter [tilespmem:s2], [sflag:$0x1], $0x18700, s13, s12, $0x38;
	[tilespmem:$0x18700] =	vst v63  }
0x122: {  	_ = 	snop  }
0x123: {  	[hbm4b:s21+s12] =	stream.strided.scatter [tilespmem:s2], [sflag:$0x1], $0x18700, s13, s12, $0x38;
	[tilespmem:$0x18700] =	vst v63  }
0x124: {  	_ =	swait.ge [sflag:s3], $0x18700  }
0x125: {  	[sflag:s3] =	ssyncset.done $0x0  }
0x126: {  	[sflag:s3] =	ssyncadd.s32 $0xFFFE7900  }
0x127: {  	_ =	swait.ge [sflag:s3], $0x18700  }
0x128: {  	[sflag:s3] =	ssyncset.done $0x0  }
0x129: {  	[sflag:s3] =	ssyncadd.s32 $0xFFFE7900  }
0x12a: {  	_ =	swait.ge [sflag:s3], $0x18700  }
0x12b: {  	[sflag:s3] =	ssyncset.done $0x0  }
0x12c: {  	[sflag:s3] =	ssyncadd.s32 $0xFFFE7900  }
0x12d: {  	_ =	swait.ge [sflag:s3], $0x18700  }
0x12e: {  	[sflag:s3] =	ssyncset.done $0x0  }
0x12f: {  	[sflag:s3] =	ssyncadd.s32 $0xFFFE7900  }
0x130: {  	_ =	swait.ge [sflag:s3], $0x18700  }
0x131: {  	[sflag:s3] =	ssyncset.done $0x0  }
0x132: {  	[sflag:s3] =	ssyncadd.s32 $0xFFFE7900  }
0x133: {  	_ =	swait.ge [sflag:s3], $0x18700  }
0x134: {  	[sflag:s3] =	ssyncset.done $0x0  }
0x135: {  	[sflag:s3] =	ssyncadd.s32 $0xFFFE7900  }
0x136: {  	_ =	swait.ge [sflag:s3], $0x18700  }
0x137: {  	[sflag:s3] =	ssyncset.done $0x0  }
0x138: {  	[sflag:s3] =	ssyncadd.s32 $0xFFFE7900  }
0x139: {  	_ =	swait.ge [sflag:s3], $0x18700  }
0x13a: {  	[sflag:s3] =	ssyncset.done $0x0  }
0x13b: {  	[sflag:s3] =	ssyncadd.s32 $0xFFFE7900  }
0x13c: {  	[hbm4b:s4+s12] =	stream.strided.scatter [tilespmem:s2], [sflag:$0x1], $0x18700, s13, s12, $0x38;
	[tilespmem:$0x18700] =	vst v63  }
0x13d: {  	_ = 	snop  }
0x13e: {  	[hbm4b:s5+s12] =	stream.strided.scatter [tilespmem:s2], [sflag:$0x1], $0x18700, s13, s12, $0x38;
	[tilespmem:$0x18700] =	vst v63  }
0x13f: {  	_ = 	snop  }
0x140: {  	[hbm4b:s6+s12] =	stream.strided.scatter [tilespmem:s2], [sflag:$0x1], $0x18700, s13, s12, $0x38;
	[tilespmem:$0x18700] =	vst v63  }
0x141: {  	_ = 	snop  }
0x142: {  	[hbm4b:s7+s12] =	stream.strided.scatter [tilespmem:s2], [sflag:$0x1], $0x18700, s13, s12, $0x38;
	[tilespmem:$0x18700] =	vst v63  }
0x143: {  	_ = 	snop  }
0x144: {  	[hbm4b:s8+s12] =	stream.strided.scatter [tilespmem:s2], [sflag:$0x1], $0x18700, s13, s12, $0x38;
	[tilespmem:$0x18700] =	vst v63  }
0x145: {  	_ = 	snop  }
0x146: {  	[hbm4b:s9+s12] =	stream.strided.scatter [tilespmem:s2], [sflag:$0x1], $0x18700, s13, s12, $0x38;
	[tilespmem:$0x18700] =	vst v63  }
0x147: {  	_ = 	snop  }
0x148: {  	[hbm4b:s10+s12] =	stream.strided.scatter [tilespmem:s2], [sflag:$0x1], $0x18700, s13, s12, $0x38;
	[tilespmem:$0x18700] =	vst v63  }
0x149: {  	_ = 	snop  }
0x14a: {  	[hbm4b:s11+s12] =	stream.strided.scatter [tilespmem:s2], [sflag:$0x1], $0x18700, s13, s12, $0x38;
	[tilespmem:$0x18700] =	vst v63  }
0x14b: {  	_ =	swait.ge [sflag:s3], $0x18700  }
0x14c: {  	[sflag:s3] =	ssyncset.done $0x0  }
0x14d: {  	[sflag:s3] =	ssyncadd.s32 $0xFFFE7900  }
0x14e: {  	_ =	swait.ge [sflag:s3], $0x18700  }
0x14f: {  	[sflag:s3] =	ssyncset.done $0x0  }
0x150: {  	[sflag:s3] =	ssyncadd.s32 $0xFFFE7900  }
0x151: {  	_ =	swait.ge [sflag:s3], $0x18700  }
0x152: {  	[sflag:s3] =	ssyncset.done $0x0  }
0x153: {  	[sflag:s3] =	ssyncadd.s32 $0xFFFE7900  }
0x154: {  	_ =	swait.ge [sflag:s3], $0x18700  }
0x155: {  	[sflag:s3] =	ssyncset.done $0x0  }
0x156: {  	[sflag:s3] =	ssyncadd.s32 $0xFFFE7900  }
0x157: {  	_ =	swait.ge [sflag:s3], $0x18700  }
0x158: {  	[sflag:s3] =	ssyncset.done $0x0  }
0x159: {  	[sflag:s3] =	ssyncadd.s32 $0xFFFE7900  }
0x15a: {  	_ =	swait.ge [sflag:s3], $0x18700  }
0x15b: {  	[sflag:s3] =	ssyncset.done $0x0  }
0x15c: {  	p1 =	sne.s32 s1, $0x1;
	[sflag:s3] =	ssyncadd.s32 $0xFFFE7900  }
.Ltmp2:
0x15d: {  	_ =	swait.ge [sflag:s3], $0x18700;
	(pc) =	sbr.rel @p1 .LBB2_2-.Ltmp2, $4  }
0x15e: {  	[sflag:s3] =	ssyncset.done $0x0  }
0x15f: {  	[sflag:s3] =	ssyncadd.s32 $0xFFFE7900  }
0x160: {  	s1 =	sadd.s32 $0xFFFFFFFF, s1;
	s30 =	smov.u32 s31;
	_ =	swait.ge [sflag:s3], $0x18700  }
0x161: {  	s31 =	simm.s32 $0x2;
	s0 =	rddreg [dreg:$0x3];
	[sflag:s3] =	ssyncset.done $0x0  }
.LBB2_3:
0x162: {  	[sflag:s3] =	ssyncadd.s32 @p0 $0xFFFE7900  }
0x163: {  	[tilespmem:s2], [sflag:$0x2] =	stream.linear.gather [hbm4b:s0+s2], $0x18700, $0x38;
	[tilespmem:$0x18700] =	vst v63  }
0x164: {  	_ =	swait.ge [sflag:s31], $0x18700  }
0x165: {  	[sflag:s31] =	ssyncset.done $0x0  }
0x166: {  	[sflag:s31] =	ssyncadd.s32 $0xFFFE7900  }
0x167: {  	[hbm4b:s30+s12] =	stream.strided.scatter [tilespmem:s2], [sflag:$0x1], $0x18700, s13, s12, $0x38;
	[tilespmem:$0x18700] =	vst v63  }
0x168: {  	s31 =	rddreg [dreg:$0x4]  }
0x169: {  	[hbm4b:s31+s12] =	stream.strided.scatter [tilespmem:s2], [sflag:$0x1], $0x18700, s13, s12, $0x38;
	[tilespmem:$0x18700] =	vst v63  }
0x16a: {  	s1 =	rddreg [dreg:$0x5]  }
0x16b: {  	[hbm4b:s1+s12] =	stream.strided.scatter [tilespmem:s2], [sflag:$0x1], $0x18700, s13, s12, $0x38;
	[tilespmem:$0x18700] =	vst v63  }
0x16c: {  	s31 =	rddreg [dreg:$0x6]  }
0x16d: {  	[hbm4b:s31+s12] =	stream.strided.scatter [tilespmem:s2], [sflag:$0x1], $0x18700, s13, s12, $0x38;
	[tilespmem:$0x18700] =	vst v63  }
0x16e: {  	s30 =	rddreg [dreg:$0x7]  }
0x16f: {  	[hbm4b:s30+s12] =	stream.strided.scatter [tilespmem:s2], [sflag:$0x1], $0x18700, s13, s12, $0x38;
	[tilespmem:$0x18700] =	vst v63  }
0x170: {  	s31 =	rddreg [dreg:$0x8]  }
0x171: {  	[hbm4b:s31+s12] =	stream.strided.scatter [tilespmem:s2], [sflag:$0x1], $0x18700, s13, s12, $0x38;
	[tilespmem:$0x18700] =	vst v63  }
0x172: {  	s30 =	rddreg [dreg:$0x9]  }
0x173: {  	[hbm4b:s30+s12] =	stream.strided.scatter [tilespmem:s2], [sflag:$0x1], $0x18700, s13, s12, $0x38;
	[tilespmem:$0x18700] =	vst v63  }
0x174: {  	s31 =	rddreg [dreg:$0xa]  }
0x175: {  	[hbm4b:s31+s12] =	stream.strided.scatter [tilespmem:s2], [sflag:$0x1], $0x18700, s13, s12, $0x38;
	[tilespmem:$0x18700] =	vst v63  }
0x176: {  	_ =	swait.ge [sflag:s3], $0x18700  }
0x177: {  	[sflag:s3] =	ssyncset.done $0x0  }
0x178: {  	[sflag:s3] =	ssyncadd.s32 $0xFFFE7900  }
0x179: {  	_ =	swait.ge [sflag:s3], $0x18700  }
0x17a: {  	[sflag:s3] =	ssyncset.done $0x0  }
0x17b: {  	[sflag:s3] =	ssyncadd.s32 $0xFFFE7900  }
0x17c: {  	_ =	swait.ge [sflag:s3], $0x18700  }
0x17d: {  	[sflag:s3] =	ssyncset.done $0x0  }
0x17e: {  	[sflag:s3] =	ssyncadd.s32 $0xFFFE7900  }
0x17f: {  	_ =	swait.ge [sflag:s3], $0x18700  }
0x180: {  	[sflag:s3] =	ssyncset.done $0x0  }
0x181: {  	[sflag:s3] =	ssyncadd.s32 $0xFFFE7900  }
0x182: {  	_ =	swait.ge [sflag:s3], $0x18700  }
0x183: {  	[sflag:s3] =	ssyncset.done $0x0  }
0x184: {  	[sflag:s3] =	ssyncadd.s32 $0xFFFE7900  }
0x185: {  	_ =	swait.ge [sflag:s3], $0x18700  }
0x186: {  	[sflag:s3] =	ssyncset.done $0x0  }
0x187: {  	[sflag:s3] =	ssyncadd.s32 $0xFFFE7900  }
0x188: {  	_ =	swait.ge [sflag:s3], $0x18700  }
0x189: {  	[sflag:s3] =	ssyncset.done $0x0  }
0x18a: {  	[sflag:s3] =	ssyncadd.s32 $0xFFFE7900  }
0x18b: {  	_ =	swait.ge [sflag:s3], $0x18700  }
0x18c: {  	[sflag:s3] =	ssyncset.done $0x0  }
0x18d: {  	s30 =	rddreg [dreg:$0xb];
	[sflag:s3] =	ssyncadd.s32 $0xFFFE7900  }
0x18e: {  	[hbm4b:s30+s12] =	stream.strided.scatter [tilespmem:s2], [sflag:$0x1], $0x18700, s13, s12, $0x38;
	[tilespmem:$0x18700] =	vst v63  }
0x18f: {  	_ = 	snop  }
0x190: {  	[hbm4b:s22+s12] =	stream.strided.scatter [tilespmem:s2], [sflag:$0x1], $0x18700, s13, s12, $0x38;
	[tilespmem:$0x18700] =	vst v63  }
0x191: {  	_ = 	snop  }
0x192: {  	[hbm4b:s23+s12] =	stream.strided.scatter [tilespmem:s2], [sflag:$0x1], $0x18700, s13, s12, $0x38;
	[tilespmem:$0x18700] =	vst v63  }
0x193: {  	_ = 	snop  }
0x194: {  	[hbm4b:s24+s12] =	stream.strided.scatter [tilespmem:s2], [sflag:$0x1], $0x18700, s13, s12, $0x38;
	[tilespmem:$0x18700] =	vst v63  }
0x195: {  	_ = 	snop  }
0x196: {  	[hbm4b:s25+s12] =	stream.strided.scatter [tilespmem:s2], [sflag:$0x1], $0x18700, s13, s12, $0x38;
	[tilespmem:$0x18700] =	vst v63  }
0x197: {  	_ = 	snop  }
0x198: {  	[hbm4b:s26+s12] =	stream.strided.scatter [tilespmem:s2], [sflag:$0x1], $0x18700, s13, s12, $0x38;
	[tilespmem:$0x18700] =	vst v63  }
0x199: {  	_ = 	snop  }
0x19a: {  	[hbm4b:s28+s12] =	stream.strided.scatter [tilespmem:s2], [sflag:$0x1], $0x18700, s13, s12, $0x38;
	[tilespmem:$0x18700] =	vst v63  }
0x19b: {  	_ = 	snop  }
0x19c: {  	[hbm4b:s29+s12] =	stream.strided.scatter [tilespmem:s2], [sflag:$0x1], $0x18700, s13, s12, $0x38;
	[tilespmem:$0x18700] =	vst v63  }
0x19d: {  	_ =	swait.ge [sflag:s3], $0x18700  }
0x19e: {  	[sflag:s3] =	ssyncset.done $0x0  }
0x19f: {  	[sflag:s3] =	ssyncadd.s32 $0xFFFE7900  }
0x1a0: {  	_ =	swait.ge [sflag:s3], $0x18700  }
0x1a1: {  	[sflag:s3] =	ssyncset.done $0x0  }
0x1a2: {  	[sflag:s3] =	ssyncadd.s32 $0xFFFE7900  }
0x1a3: {  	_ =	swait.ge [sflag:s3], $0x18700  }
0x1a4: {  	[sflag:s3] =	ssyncset.done $0x0  }
0x1a5: {  	[sflag:s3] =	ssyncadd.s32 $0xFFFE7900  }
0x1a6: {  	_ =	swait.ge [sflag:s3], $0x18700  }
0x1a7: {  	[sflag:s3] =	ssyncset.done $0x0  }
0x1a8: {  	[sflag:s3] =	ssyncadd.s32 $0xFFFE7900  }
0x1a9: {  	_ =	swait.ge [sflag:s3], $0x18700  }
0x1aa: {  	[sflag:s3] =	ssyncset.done $0x0  }
0x1ab: {  	[sflag:s3] =	ssyncadd.s32 $0xFFFE7900  }
0x1ac: {  	_ =	swait.ge [sflag:s3], $0x18700  }
0x1ad: {  	[sflag:s3] =	ssyncset.done $0x0  }
0x1ae: {  	[sflag:s3] =	ssyncadd.s32 $0xFFFE7900  }
0x1af: {  	_ =	swait.ge [sflag:s3], $0x18700  }
0x1b0: {  	[sflag:s3] =	ssyncset.done $0x0  }
0x1b1: {  	[sflag:s3] =	ssyncadd.s32 $0xFFFE7900  }
0x1b2: {  	_ =	swait.ge [sflag:s3], $0x18700  }
0x1b3: {  	[sflag:s3] =	ssyncset.done $0x0  }
0x1b4: {  	[sflag:s3] =	ssyncadd.s32 $0xFFFE7900  }
0x1b5: {  	[hbm4b:s14+s12] =	stream.strided.scatter [tilespmem:s2], [sflag:$0x1], $0x18700, s13, s12, $0x38;
	[tilespmem:$0x18700] =	vst v63  }
0x1b6: {  	_ = 	snop  }
0x1b7: {  	[hbm4b:s15+s12] =	stream.strided.scatter [tilespmem:s2], [sflag:$0x1], $0x18700, s13, s12, $0x38;
	[tilespmem:$0x18700] =	vst v63  }
0x1b8: {  	_ = 	snop  }
0x1b9: {  	[hbm4b:s16+s12] =	stream.strided.scatter [tilespmem:s2], [sflag:$0x1], $0x18700, s13, s12, $0x38;
	[tilespmem:$0x18700] =	vst v63  }
0x1ba: {  	_ = 	snop  }
0x1bb: {  	[hbm4b:s17+s12] =	stream.strided.scatter [tilespmem:s2], [sflag:$0x1], $0x18700, s13, s12, $0x38;
	[tilespmem:$0x18700] =	vst v63  }
0x1bc: {  	_ = 	snop  }
0x1bd: {  	[hbm4b:s18+s12] =	stream.strided.scatter [tilespmem:s2], [sflag:$0x1], $0x18700, s13, s12, $0x38;
	[tilespmem:$0x18700] =	vst v63  }
0x1be: {  	_ = 	snop  }
0x1bf: {  	[hbm4b:s19+s12] =	stream.strided.scatter [tilespmem:s2], [sflag:$0x1], $0x18700, s13, s12, $0x38;
	[tilespmem:$0x18700] =	vst v63  }
0x1c0: {  	_ = 	snop  }
0x1c1: {  	[hbm4b:s20+s12] =	stream.strided.scatter [tilespmem:s2], [sflag:$0x1], $0x18700, s13, s12, $0x38;
	[tilespmem:$0x18700] =	vst v63  }
0x1c2: {  	_ = 	snop  }
0x1c3: {  	[hbm4b:s21+s12] =	stream.strided.scatter [tilespmem:s2], [sflag:$0x1], $0x18700, s13, s12, $0x38;
	[tilespmem:$0x18700] =	vst v63  }
0x1c4: {  	_ =	swait.ge [sflag:s3], $0x18700  }
0x1c5: {  	[sflag:s3] =	ssyncset.done $0x0  }
0x1c6: {  	[sflag:s3] =	ssyncadd.s32 $0xFFFE7900  }
0x1c7: {  	_ =	swait.ge [sflag:s3], $0x18700  }
0x1c8: {  	[sflag:s3] =	ssyncset.done $0x0  }
0x1c9: {  	[sflag:s3] =	ssyncadd.s32 $0xFFFE7900  }
0x1ca: {  	_ =	swait.ge [sflag:s3], $0x18700  }
0x1cb: {  	[sflag:s3] =	ssyncset.done $0x0  }
0x1cc: {  	[sflag:s3] =	ssyncadd.s32 $0xFFFE7900  }
0x1cd: {  	_ =	swait.ge [sflag:s3], $0x18700  }
0x1ce: {  	[sflag:s3] =	ssyncset.done $0x0  }
0x1cf: {  	[sflag:s3] =	ssyncadd.s32 $0xFFFE7900  }
0x1d0: {  	_ =	swait.ge [sflag:s3], $0x18700  }
0x1d1: {  	[sflag:s3] =	ssyncset.done $0x0  }
0x1d2: {  	[sflag:s3] =	ssyncadd.s32 $0xFFFE7900  }
0x1d3: {  	_ =	swait.ge [sflag:s3], $0x18700  }
0x1d4: {  	[sflag:s3] =	ssyncset.done $0x0  }
0x1d5: {  	[sflag:s3] =	ssyncadd.s32 $0xFFFE7900  }
0x1d6: {  	_ =	swait.ge [sflag:s3], $0x18700  }
0x1d7: {  	[sflag:s3] =	ssyncset.done $0x0  }
0x1d8: {  	[sflag:s3] =	ssyncadd.s32 $0xFFFE7900  }
0x1d9: {  	_ =	swait.ge [sflag:s3], $0x18700  }
0x1da: {  	[sflag:s3] =	ssyncset.done $0x0  }
0x1db: {  	[sflag:s3] =	ssyncadd.s32 $0xFFFE7900  }
0x1dc: {  	[hbm4b:s4+s12] =	stream.strided.scatter [tilespmem:s2], [sflag:$0x1], $0x18700, s13, s12, $0x38;
	[tilespmem:$0x18700] =	vst v63  }
0x1dd: {  	_ = 	snop  }
0x1de: {  	[hbm4b:s5+s12] =	stream.strided.scatter [tilespmem:s2], [sflag:$0x1], $0x18700, s13, s12, $0x38;
	[tilespmem:$0x18700] =	vst v63  }
0x1df: {  	_ = 	snop  }
0x1e0: {  	[hbm4b:s6+s12] =	stream.strided.scatter [tilespmem:s2], [sflag:$0x1], $0x18700, s13, s12, $0x38;
	[tilespmem:$0x18700] =	vst v63  }
0x1e1: {  	_ = 	snop  }
0x1e2: {  	[hbm4b:s7+s12] =	stream.strided.scatter [tilespmem:s2], [sflag:$0x1], $0x18700, s13, s12, $0x38;
	[tilespmem:$0x18700] =	vst v63  }
0x1e3: {  	_ = 	snop  }
0x1e4: {  	[hbm4b:s8+s12] =	stream.strided.scatter [tilespmem:s2], [sflag:$0x1], $0x18700, s13, s12, $0x38;
	[tilespmem:$0x18700] =	vst v63  }
0x1e5: {  	_ = 	snop  }
0x1e6: {  	[hbm4b:s9+s12] =	stream.strided.scatter [tilespmem:s2], [sflag:$0x1], $0x18700, s13, s12, $0x38;
	[tilespmem:$0x18700] =	vst v63  }
0x1e7: {  	_ = 	snop  }
0x1e8: {  	[hbm4b:s10+s12] =	stream.strided.scatter [tilespmem:s2], [sflag:$0x1], $0x18700, s13, s12, $0x38;
	[tilespmem:$0x18700] =	vst v63  }
0x1e9: {  	_ = 	snop  }
0x1ea: {  	[hbm4b:s11+s12] =	stream.strided.scatter [tilespmem:s2], [sflag:$0x1], $0x18700, s13, s12, $0x38;
	[tilespmem:$0x18700] =	vst v63  }
0x1eb: {  	_ =	swait.ge [sflag:s3], $0x18700  }
0x1ec: {  	[sflag:s3] =	ssyncset.done $0x0  }
0x1ed: {  	[sflag:s3] =	ssyncadd.s32 $0xFFFE7900  }
0x1ee: {  	_ =	swait.ge [sflag:s3], $0x18700  }
0x1ef: {  	[sflag:s3] =	ssyncset.done $0x0  }
0x1f0: {  	[sflag:s3] =	ssyncadd.s32 $0xFFFE7900  }
0x1f1: {  	_ =	swait.ge [sflag:s3], $0x18700  }
0x1f2: {  	[sflag:s3] =	ssyncset.done $0x0  }
0x1f3: {  	[sflag:s3] =	ssyncadd.s32 $0xFFFE7900  }
0x1f4: {  	_ =	swait.ge [sflag:s3], $0x18700  }
0x1f5: {  	[sflag:s3] =	ssyncset.done $0x0  }
0x1f6: {  	[sflag:s3] =	ssyncadd.s32 $0xFFFE7900  }
0x1f7: {  	_ =	swait.ge [sflag:s3], $0x18700  }
0x1f8: {  	[sflag:s3] =	ssyncset.done $0x0  }
0x1f9: {  	[sflag:s3] =	ssyncadd.s32 $0xFFFE7900  }
0x1fa: {  	_ =	swait.ge [sflag:s3], $0x18700  }
0x1fb: {  	[sflag:s3] =	ssyncset.done $0x0  }
0x1fc: {  	[sflag:s3] =	ssyncadd.s32 $0xFFFE7900  }
0x1fd: {  	_ =	swait.ge [sflag:s3], $0x18700  }
0x1fe: {  	[sflag:s3] =	ssyncset.done $0x0  }
0x1ff: {  	[sflag:s3] =	ssyncadd.s32 $0xFFFE7900  }
0x200: {  	_ =	swait.ge [sflag:s3], $0x18700  }
0x201: {  	[sflag:s3] =	ssyncset.done $0x0  }
0x202: {  	[sflag:s3] =	ssyncadd.s32 $0xFFFE7900  }
0x203: {  	_ =	sfence.sel $0x180000  }
0x204: {  	[bflag:$0x0] =	sbarrier.arrive $0xFFFF  }
0x205: {  	_ =	strace $0x90000047  }
0x206: {  	s31 =	stileid.u32;
	[bflag:$0x2] =	sbarrier.arrive $0xFFFF  }
0x207: {  	p0 =	sne.s32 s31, $0x0;
	s0 =	rddreg [dreg:$0x2]  }
0x208: {  	s0 =	sadd.s32 @!p0 $0x100000, s0  }
0x209: {  	[sflag:s0] =	ssyncadd.tile.s32 @!p0 $0x1;
	_ =	shalt  }
.Lfunc_end2:
_tile_overlayer_lowered:
.L_overlay_start_2:
0x20a: {  	(tag) =	ssettag $0x2  }
0x20b: {  	s0 =	rddreg [dreg:$0x0];
	s2 =	stileid.u32  }
0x20c: {  	s1 =	rddreg [dreg:$0x1];
	p0 =	sne.s32 s2, $0x0  }
0x20d: {  	s3 =	rddreg [dreg:$0x2];
	[bflag:$0x3] =	sbarrier.arrive $0xFFFF;
	s2 =	simm.s32 @!p0 $0x1C02  }
0x20e: {  	[timem:s3], [sflag:s2] =	dma.local @!p0 [hbm:s0], s1  }
0x20f: {  	s0 =	simm.s32 @!p0 $0x2  }
0x210: {  	_ =	swait.ge @!p0 [sflag:s0], s1  }
0x211: {  	s1 =	ssub.s32 @!p0 $0x0, s1;
	[sflag:s0] =	ssyncset.done @!p0 $0x0  }
0x212: {  	[sflag:s0] =	ssyncadd.s32 @!p0 s1  }
0x213: {  	[bflag:$0x3] =	sbarrier.arrive $0xFFFF  }
0x214: {  	_ =	shalt  }

</sc_bundles>
